<compile_context>
chip_gen: v7x
topology: tpu7x:2x2x1
jax: 0.10.2.dev20260603
libtpu: 0.0.44.dev20260713+nightly
codegen_flags: <defaults>
</compile_context>

<pallas_src>
import functools

import jax
import jax.numpy as jnp
from jax import lax
from jax.experimental import pallas as pl
from jax.experimental.pallas import tpu as pltpu
from jax.experimental.pallas import tpu_sc as plsc

VOCAB = 1000
EMB = 64
B = 1024
NCHUNK = 8
CSTRIDE = 1024
PLROWS = NCHUNK * CSTRIDE

NC = 2
NS = 16
NW = NC * NS
RPW = B // NW
G = 16
GROUPS = RPW // G
UNROLL = 8


def _tc_p_body(emb_v_ref, emb_u_ref, pl_ref):
    p = lax.dot_general(
        emb_v_ref[...], emb_u_ref[...], (((1,), (1,)), ((), ())),
        preferred_element_type=jnp.float32, precision=lax.Precision.HIGHEST)
    for ct in range(NCHUNK):
        w = min(128, VOCAB - ct * 128)
        pl_ref[pl.ds(ct * CSTRIDE, VOCAB), pl.ds(0, w)] = (
            p[:, ct * 128:ct * 128 + w])


def _sc_sumexp_body(pl_hbm, ct_hbm, av_hbm, se_hbm, sco_hbm,
                    cen_v, tgt_v, idx_a, idx_b, rows_v, av_v, se_v, sco_v,
                    sem_r, sem_s, sem_a, sem_b):
    cid = lax.axis_index("c")
    sid = lax.axis_index("s")
    wid = sid * NC + cid
    base = wid * RPW
    lanes = lax.broadcasted_iota(jnp.int32, (G,), 0)

    pltpu.sync_copy(ct_hbm.at[pl.ds(base, RPW)], cen_v)
    pltpu.sync_copy(ct_hbm.at[pl.ds(B + base, RPW)], tgt_v)

    ct_off = (lanes & 7) * CSTRIDE
    b_sel = lanes >> 3
    for i in range(8):
        idx_a[pl.ds(i * G, G)] = (
            plsc.load_gather(cen_v, [b_sel + 2 * i]) + ct_off)
        idx_b[pl.ds(i * G, G)] = (
            plsc.load_gather(cen_v, [b_sel + 2 * i + G]) + ct_off)

    def av_copy(g, sem):
        return pltpu.async_copy(
            av_hbm.at[pl.ds((base + g * G) * VOCAB, G * VOCAB)],
            av_v.at[pl.ds(g * G * VOCAB, G * VOCAB)], sem)

    cp_av0 = av_copy(0, sem_a)
    cp_r = pltpu.async_copy(pl_hbm.at[idx_a], rows_v.at[pl.ds(0, 128)], sem_r)
    cp_av1 = av_copy(1, sem_b)
    cp_s = pltpu.async_copy(pl_hbm.at[idx_b], rows_v.at[pl.ds(128, 128)],
                            sem_s)
    cp_av = [cp_av0, cp_av1]

    b8 = [(lanes + g * G) * 8 for g in range(GROUPS)]
    b1024 = [(lanes + g * G) * 1024 for g in range(GROUPS)]
    bav = [(lanes + g * G) * VOCAB for g in range(GROUPS)]
    zrow = jnp.zeros((G,), jnp.int32)
    zero = jnp.zeros((G,), jnp.float32)
    NACC = 4
    accs = []
    for g in range(GROUPS):
        cp_av[g].wait()
        (cp_r if g == 0 else cp_s).wait()

        def step(j0, acc, g=g):
            new = list(acc)
            for u in range(UNROLL):
                j = j0 * UNROLL + u
                iv = plsc.load_gather(av_v, [bav[g] + j])
                vals = plsc.load_gather(rows_v, [zrow, b1024[g] + iv])
                new[u % NACC] = new[u % NACC] + jnp.exp(vals)
            return tuple(new)

        parts = lax.fori_loop(0, VOCAB // UNROLL, step, (zero,) * NACC)
        accs.append((parts[0] + parts[1]) + (parts[2] + parts[3]))

    for g in range(GROUPS):
        se_v[pl.ds(g * G, G)] = accs[g]
        tv = tgt_v[pl.ds(g * G, G)]
        sco_v[pl.ds(g * G, G)] = plsc.load_gather(
            rows_v, [b8[g] + (tv >> 7), tv & 127])
    pltpu.sync_copy(se_v, se_hbm.at[pl.ds(base, RPW)])
    pltpu.sync_copy(sco_v, sco_hbm.at[pl.ds(base, RPW)])


def _tc_final_body(sumexp_ref, scores_ref, o_ref):
    nll = jnp.mean(jnp.log(sumexp_ref[...])) - jnp.mean(scores_ref[...])
    o_ref[...] = nll.reshape(1, 1)


@jax.jit
def kernel(center_words, target_words, all_vocabs, emb_v, emb_u):
    pl_mat = pl.pallas_call(
        _tc_p_body,
        out_shape=jax.ShapeDtypeStruct((PLROWS, 128), jnp.float32),
    )(emb_v, emb_u)

    cen_tgt = jnp.concatenate(
        [center_words.reshape(B), target_words.reshape(B)])

    sumexp, scores = pl.kernel(
        _sc_sumexp_body,
        mesh=plsc.VectorSubcoreMesh(core_axis_name="c", subcore_axis_name="s"),
        out_type=[
            jax.ShapeDtypeStruct((B,), jnp.float32),
            jax.ShapeDtypeStruct((B,), jnp.float32),
        ],
        scratch_types=[
            pltpu.VMEM((RPW,), jnp.int32),
            pltpu.VMEM((RPW,), jnp.int32),
            pltpu.VMEM((128,), jnp.int32),
            pltpu.VMEM((128,), jnp.int32),
            pltpu.VMEM((2 * 128, 128), jnp.float32),
            pltpu.VMEM((RPW * VOCAB,), jnp.int32),
            pltpu.VMEM((RPW,), jnp.float32),
            pltpu.VMEM((RPW,), jnp.float32),
            pltpu.SemaphoreType.DMA,
            pltpu.SemaphoreType.DMA,
            pltpu.SemaphoreType.DMA,
            pltpu.SemaphoreType.DMA,
        ],
        compiler_params=pltpu.CompilerParams(
            use_tc_tiling_on_sc=False, needs_layout_passes=False),
    )(pl_mat, cen_tgt, all_vocabs.reshape(B * VOCAB))

    nll = pl.pallas_call(
        _tc_final_body,
        out_shape=jax.ShapeDtypeStruct((1, 1), jnp.float32),
    )(sumexp.reshape(8, 128), scores.reshape(8, 128))
    return nll[0, 0]

# --- scband reference (transcript-rebuilt; emitter-appended) ---
"""Pipeline reference for scband-skipgram-46402826666514 (READ-ONLY COPY).

The authoritative reference and input builder live on the scoring server;
editing this copy changes nothing except your own understanding.
"""

import jax, jax.numpy as jnp
import numpy as np

VOCAB = 1000
EMB = 64
B = 1024


def setup_inputs(seed: int = 0) -> dict:
    key = jax.random.key(seed)
    k1, k2, k3, k4, k5 = jax.random.split(key, 5)
    center_words = jax.random.randint(k1, (B, 1), 0, VOCAB, dtype=jnp.int64 if jax.config.jax_enable_x64 else jnp.int32)
    target_words = jax.random.randint(k2, (B, 1), 0, VOCAB, dtype=jnp.int64 if jax.config.jax_enable_x64 else jnp.int32)
    all_vocabs = jax.random.randint(k3, (B, VOCAB), 0, VOCAB, dtype=jnp.int64 if jax.config.jax_enable_x64 else jnp.int32)
    emb_v = jax.random.normal(k4, (VOCAB, EMB), dtype=jnp.float32)
    emb_u = jax.random.normal(k5, (VOCAB, EMB), dtype=jnp.float32)
    return {
        "center_words": center_words,
        "target_words": target_words,
        "all_vocabs": all_vocabs,
        "emb_v": emb_v,
        "emb_u": emb_u,
    }


def reference(center_words, target_words, all_vocabs, emb_v, emb_u):
    # Embedding lookups (gathers)
    center_embeds = jnp.take(emb_v, center_words, axis=0)   # [B, 1, E]
    target_embeds = jnp.take(emb_u, target_words, axis=0)   # [B, 1, E]
    all_embeds = jnp.take(emb_u, all_vocabs, axis=0)        # [B, V, E]
    # scores = target_embeds.bmm(center_embeds.transpose(1,2)).squeeze(2)
    scores = jnp.squeeze(jnp.matmul(target_embeds, jnp.swapaxes(center_embeds, 1, 2)), axis=2)  # [B, 1]
    # norm_scores = all_embeds.bmm(center_embeds.transpose(1,2)).squeeze(2)
    norm_scores = jnp.squeeze(jnp.matmul(all_embeds, jnp.swapaxes(center_embeds, 1, 2)), axis=2)  # [B, V]
    nll = -jnp.mean(jnp.log(jnp.exp(scores) / jnp.sum(jnp.exp(norm_scores), axis=1)[:, None]))
    return nll

if __name__ == "__main__":
    import jax
    _d = setup_inputs()
    print(jax.jit(kernel)(*tuple(_d.values())))

</pallas_src>

<mosaic_0001>
#map = affine_map<(d0, d1) -> (0, 0)>
#map1 = affine_map<(d0, d1) -> (0)>
module attributes {stable_mosaic.version = 14 : i64} {
  func.func @_sc_sumexp_body(%arg0: i32, %arg1: i32, %arg2: memref<8192x128xf32, #tpu.memory_space<hbm>>, %arg3: memref<2048xi32, #tpu.memory_space<hbm>>, %arg4: memref<1024000xi32, #tpu.memory_space<hbm>>, %arg5: memref<1024xf32, #tpu.memory_space<hbm>>, %arg6: memref<1024xf32, #tpu.memory_space<hbm>>, %arg7: memref<32xi32, #tpu.memory_space<vmem>>, %arg8: memref<32xi32, #tpu.memory_space<vmem>>, %arg9: memref<128xi32, #tpu.memory_space<vmem>>, %arg10: memref<128xi32, #tpu.memory_space<vmem>>, %arg11: memref<256x128xf32, #tpu.memory_space<vmem>>, %arg12: memref<32000xi32, #tpu.memory_space<vmem>>, %arg13: memref<32xf32, #tpu.memory_space<vmem>>, %arg14: memref<32xf32, #tpu.memory_space<vmem>>, %arg15: memref<!tpu.dma_semaphore, #tpu.memory_space<semaphore_mem>>, %arg16: memref<!tpu.dma_semaphore, #tpu.memory_space<semaphore_mem>>, %arg17: memref<!tpu.dma_semaphore, #tpu.memory_space<semaphore_mem>>, %arg18: memref<!tpu.dma_semaphore, #tpu.memory_space<semaphore_mem>>) attributes {dimension_semantics = [#tpu.dimension_semantics<core_parallel>, #tpu.dimension_semantics<subcore_parallel>], iteration_bounds = array<i64: 2, 16>, scalar_prefetch = 0 : i64, scratch_operands = 12 : i64, tpu.core_type = #tpu.core_type<sc_vector_subcore>, window_params = [{transform_indices = #map}, {transform_indices = #map1}, {transform_indices = #map1}, {transform_indices = #map1}, {transform_indices = #map1}]} {
    %mul3A = arith.constant 2 : i32
    %mul3A_0 = arith.muli %arg1, %mul3A : i32
    %add3A = arith.addi %mul3A_0, %arg0 : i32
    %mul3A_1 = arith.constant 32 : i32
    %mul3A_2 = arith.muli %add3A, %mul3A_1 : i32
    %iota3A = tpu.iota {dimensions = array<i32: 0>} : vector<16xi32>
    "tpu.region"() ({
      %run_scoped3A = tpu.sem_alloc : memref<!tpu.dma_semaphore, #tpu.memory_space<semaphore_mem>>
      %dma_start3A_283 = tpu.memref_slice %arg3[%mul3A_2] : memref<2048xi32, #tpu.memory_space<hbm>> -> memref<32xi32, #tpu.memory_space<hbm>>
      %dma_start3A_284 = tpu.memref_slice %arg3[%mul3A_2] : memref<2048xi32, #tpu.memory_space<hbm>> -> memref<32xi32, #tpu.memory_space<hbm>>
      tpu.enqueue_dma source(%dma_start3A_284 : memref<32xi32, #tpu.memory_space<hbm>>) target(%arg7 : memref<32xi32, #tpu.memory_space<vmem>>) target_semaphore(%run_scoped3A : memref<!tpu.dma_semaphore, #tpu.memory_space<semaphore_mem>>)
      %dma_wait3A_285 = tpu.memref_slice %arg3[%mul3A_2] : memref<2048xi32, #tpu.memory_space<hbm>> -> memref<32xi32, #tpu.memory_space<hbm>>
      %dma_wait3A_286 = tpu.memref_slice %arg3[%mul3A_2] : memref<2048xi32, #tpu.memory_space<hbm>> -> memref<32xi32, #tpu.memory_space<hbm>>
      tpu.wait_dma2 semaphore(%run_scoped3A : memref<!tpu.dma_semaphore, #tpu.memory_space<semaphore_mem>>) src(%dma_wait3A_286 : memref<32xi32, #tpu.memory_space<hbm>>) dst(%arg7 : memref<32xi32, #tpu.memory_space<vmem>>)
      tpu.yield
    }) : () -> ()
    %add3A_3 = arith.constant 1024 : i32
    %add3A_4 = arith.addi %add3A_3, %mul3A_2 : i32
    "tpu.region"() ({
      %run_scoped3A = tpu.sem_alloc : memref<!tpu.dma_semaphore, #tpu.memory_space<semaphore_mem>>
      %dma_start3A_283 = tpu.memref_slice %arg3[%add3A_4] : memref<2048xi32, #tpu.memory_space<hbm>> -> memref<32xi32, #tpu.memory_space<hbm>>
      %dma_start3A_284 = tpu.memref_slice %arg3[%add3A_4] : memref<2048xi32, #tpu.memory_space<hbm>> -> memref<32xi32, #tpu.memory_space<hbm>>
      tpu.enqueue_dma source(%dma_start3A_284 : memref<32xi32, #tpu.memory_space<hbm>>) target(%arg8 : memref<32xi32, #tpu.memory_space<vmem>>) target_semaphore(%run_scoped3A : memref<!tpu.dma_semaphore, #tpu.memory_space<semaphore_mem>>)
      %dma_wait3A_285 = tpu.memref_slice %arg3[%add3A_4] : memref<2048xi32, #tpu.memory_space<hbm>> -> memref<32xi32, #tpu.memory_space<hbm>>
      %dma_wait3A_286 = tpu.memref_slice %arg3[%add3A_4] : memref<2048xi32, #tpu.memory_space<hbm>> -> memref<32xi32, #tpu.memory_space<hbm>>
      tpu.wait_dma2 semaphore(%run_scoped3A : memref<!tpu.dma_semaphore, #tpu.memory_space<semaphore_mem>>) src(%dma_wait3A_286 : memref<32xi32, #tpu.memory_space<hbm>>) dst(%arg8 : memref<32xi32, #tpu.memory_space<vmem>>)
      tpu.yield
    }) : () -> ()
    %and3A = arith.constant 7 : i32
    %and3A_5 = vector.broadcast %and3A : i32 to vector<16xi32>
    %and3A_6 = arith.andi %iota3A, %and3A_5 : vector<16xi32>
    %mul3A_7 = arith.constant 1024 : i32
    %mul3A_8 = vector.broadcast %mul3A_7 : i32 to vector<16xi32>
    %mul3A_9 = arith.muli %and3A_6, %mul3A_8 : vector<16xi32>
    %shift_right_arithmetic3A = arith.constant 3 : i32
    %shift_right_arithmetic3A_10 = vector.broadcast %shift_right_arithmetic3A : i32 to vector<16xi32>
    %shift_right_arithmetic3A_11 = arith.shrsi %iota3A, %shift_right_arithmetic3A_10 : vector<16xi32>
    %add3A_12 = arith.constant 0 : i32
    %add3A_13 = vector.broadcast %add3A_12 : i32 to vector<16xi32>
    %add3A_14 = arith.addi %shift_right_arithmetic3A_11, %add3A_13 : vector<16xi32>
    %gather3A = tpu.vector_load_idx %arg7[%add3A_14] : memref<32xi32, #tpu.memory_space<vmem>>[vector<16xi32>], vector<16xi32>,
    %add3A_15 = arith.addi %gather3A, %mul3A_9 : vector<16xi32>
    %swap3A = arith.constant 0 : index
    %swap3A_16 = tpu.vector_load %arg9[%swap3A] {strides = array<i32>} : memref<128xi32, #tpu.memory_space<vmem>>, vector<16xi32>,
    tpu.vector_store %arg9[%swap3A], %add3A_15 {strides = array<i32>} : memref<128xi32, #tpu.memory_space<vmem>>, vector<16xi32>,
    %add3A_17 = arith.constant 0 : i32
    %add3A_18 = vector.broadcast %add3A_17 : i32 to vector<16xi32>
    %add3A_19 = arith.addi %shift_right_arithmetic3A_11, %add3A_18 : vector<16xi32>
    %add3A_20 = arith.constant 16 : i32
    %add3A_21 = vector.broadcast %add3A_20 : i32 to vector<16xi32>
    %add3A_22 = arith.addi %add3A_19, %add3A_21 : vector<16xi32>
    %gather3A_23 = tpu.vector_load_idx %arg7[%add3A_22] : memref<32xi32, #tpu.memory_space<vmem>>[vector<16xi32>], vector<16xi32>,
    %add3A_24 = arith.addi %gather3A_23, %mul3A_9 : vector<16xi32>
    %swap3A_25 = arith.constant 0 : index
    %swap3A_26 = tpu.vector_load %arg10[%swap3A_25] {strides = array<i32>} : memref<128xi32, #tpu.memory_space<vmem>>, vector<16xi32>,
    tpu.vector_store %arg10[%swap3A_25], %add3A_24 {strides = array<i32>} : memref<128xi32, #tpu.memory_space<vmem>>, vector<16xi32>,
    %add3A_27 = arith.constant 2 : i32
    %add3A_28 = vector.broadcast %add3A_27 : i32 to vector<16xi32>
    %add3A_29 = arith.addi %shift_right_arithmetic3A_11, %add3A_28 : vector<16xi32>
    %gather3A_30 = tpu.vector_load_idx %arg7[%add3A_29] : memref<32xi32, #tpu.memory_space<vmem>>[vector<16xi32>], vector<16xi32>,
    %add3A_31 = arith.addi %gather3A_30, %mul3A_9 : vector<16xi32>
    %swap3A_32 = arith.constant 16 : index
    %swap3A_33 = tpu.vector_load %arg9[%swap3A_32] {strides = array<i32>} : memref<128xi32, #tpu.memory_space<vmem>>, vector<16xi32>,
    tpu.vector_store %arg9[%swap3A_32], %add3A_31 {strides = array<i32>} : memref<128xi32, #tpu.memory_space<vmem>>, vector<16xi32>,
    %add3A_34 = arith.constant 2 : i32
    %add3A_35 = vector.broadcast %add3A_34 : i32 to vector<16xi32>
    %add3A_36 = arith.addi %shift_right_arithmetic3A_11, %add3A_35 : vector<16xi32>
    %add3A_37 = arith.constant 16 : i32
    %add3A_38 = vector.broadcast %add3A_37 : i32 to vector<16xi32>
    %add3A_39 = arith.addi %add3A_36, %add3A_38 : vector<16xi32>
    %gather3A_40 = tpu.vector_load_idx %arg7[%add3A_39] : memref<32xi32, #tpu.memory_space<vmem>>[vector<16xi32>], vector<16xi32>,
    %add3A_41 = arith.addi %gather3A_40, %mul3A_9 : vector<16xi32>
    %swap3A_42 = arith.constant 16 : index
    %swap3A_43 = tpu.vector_load %arg10[%swap3A_42] {strides = array<i32>} : memref<128xi32, #tpu.memory_space<vmem>>, vector<16xi32>,
    tpu.vector_store %arg10[%swap3A_42], %add3A_41 {strides = array<i32>} : memref<128xi32, #tpu.memory_space<vmem>>, vector<16xi32>,
    %add3A_44 = arith.constant 4 : i32
    %add3A_45 = vector.broadcast %add3A_44 : i32 to vector<16xi32>
    %add3A_46 = arith.addi %shift_right_arithmetic3A_11, %add3A_45 : vector<16xi32>
    %gather3A_47 = tpu.vector_load_idx %arg7[%add3A_46] : memref<32xi32, #tpu.memory_space<vmem>>[vector<16xi32>], vector<16xi32>,
    %add3A_48 = arith.addi %gather3A_47, %mul3A_9 : vector<16xi32>
    %swap3A_49 = arith.constant 32 : index
    %swap3A_50 = tpu.vector_load %arg9[%swap3A_49] {strides = array<i32>} : memref<128xi32, #tpu.memory_space<vmem>>, vector<16xi32>,
    tpu.vector_store %arg9[%swap3A_49], %add3A_48 {strides = array<i32>} : memref<128xi32, #tpu.memory_space<vmem>>, vector<16xi32>,
    %add3A_51 = arith.constant 4 : i32
    %add3A_52 = vector.broadcast %add3A_51 : i32 to vector<16xi32>
    %add3A_53 = arith.addi %shift_right_arithmetic3A_11, %add3A_52 : vector<16xi32>
    %add3A_54 = arith.constant 16 : i32
    %add3A_55 = vector.broadcast %add3A_54 : i32 to vector<16xi32>
    %add3A_56 = arith.addi %add3A_53, %add3A_55 : vector<16xi32>
    %gather3A_57 = tpu.vector_load_idx %arg7[%add3A_56] : memref<32xi32, #tpu.memory_space<vmem>>[vector<16xi32>], vector<16xi32>,
    %add3A_58 = arith.addi %gather3A_57, %mul3A_9 : vector<16xi32>
    %swap3A_59 = arith.constant 32 : index
    %swap3A_60 = tpu.vector_load %arg10[%swap3A_59] {strides = array<i32>} : memref<128xi32, #tpu.memory_space<vmem>>, vector<16xi32>,
    tpu.vector_store %arg10[%swap3A_59], %add3A_58 {strides = array<i32>} : memref<128xi32, #tpu.memory_space<vmem>>, vector<16xi32>,
    %add3A_61 = arith.constant 6 : i32
    %add3A_62 = vector.broadcast %add3A_61 : i32 to vector<16xi32>
    %add3A_63 = arith.addi %shift_right_arithmetic3A_11, %add3A_62 : vector<16xi32>
    %gather3A_64 = tpu.vector_load_idx %arg7[%add3A_63] : memref<32xi32, #tpu.memory_space<vmem>>[vector<16xi32>], vector<16xi32>,
    %add3A_65 = arith.addi %gather3A_64, %mul3A_9 : vector<16xi32>
    %swap3A_66 = arith.constant 48 : index
    %swap3A_67 = tpu.vector_load %arg9[%swap3A_66] {strides = array<i32>} : memref<128xi32, #tpu.memory_space<vmem>>, vector<16xi32>,
    tpu.vector_store %arg9[%swap3A_66], %add3A_65 {strides = array<i32>} : memref<128xi32, #tpu.memory_space<vmem>>, vector<16xi32>,
    %add3A_68 = arith.constant 6 : i32
    %add3A_69 = vector.broadcast %add3A_68 : i32 to vector<16xi32>
    %add3A_70 = arith.addi %shift_right_arithmetic3A_11, %add3A_69 : vector<16xi32>
    %add3A_71 = arith.constant 16 : i32
    %add3A_72 = vector.broadcast %add3A_71 : i32 to vector<16xi32>
    %add3A_73 = arith.addi %add3A_70, %add3A_72 : vector<16xi32>
    %gather3A_74 = tpu.vector_load_idx %arg7[%add3A_73] : memref<32xi32, #tpu.memory_space<vmem>>[vector<16xi32>], vector<16xi32>,
    %add3A_75 = arith.addi %gather3A_74, %mul3A_9 : vector<16xi32>
    %swap3A_76 = arith.constant 48 : index
    %swap3A_77 = tpu.vector_load %arg10[%swap3A_76] {strides = array<i32>} : memref<128xi32, #tpu.memory_space<vmem>>, vector<16xi32>,
    tpu.vector_store %arg10[%swap3A_76], %add3A_75 {strides = array<i32>} : memref<128xi32, #tpu.memory_space<vmem>>, vector<16xi32>,
    %add3A_78 = arith.constant 8 : i32
    %add3A_79 = vector.broadcast %add3A_78 : i32 to vector<16xi32>
    %add3A_80 = arith.addi %shift_right_arithmetic3A_11, %add3A_79 : vector<16xi32>
    %gather3A_81 = tpu.vector_load_idx %arg7[%add3A_80] : memref<32xi32, #tpu.memory_space<vmem>>[vector<16xi32>], vector<16xi32>,
    %add3A_82 = arith.addi %gather3A_81, %mul3A_9 : vector<16xi32>
    %swap3A_83 = arith.constant 64 : index
    %swap3A_84 = tpu.vector_load %arg9[%swap3A_83] {strides = array<i32>} : memref<128xi32, #tpu.memory_space<vmem>>, vector<16xi32>,
    tpu.vector_store %arg9[%swap3A_83], %add3A_82 {strides = array<i32>} : memref<128xi32, #tpu.memory_space<vmem>>, vector<16xi32>,
    %add3A_85 = arith.constant 8 : i32
    %add3A_86 = vector.broadcast %add3A_85 : i32 to vector<16xi32>
    %add3A_87 = arith.addi %shift_right_arithmetic3A_11, %add3A_86 : vector<16xi32>
    %add3A_88 = arith.constant 16 : i32
    %add3A_89 = vector.broadcast %add3A_88 : i32 to vector<16xi32>
    %add3A_90 = arith.addi %add3A_87, %add3A_89 : vector<16xi32>
    %gather3A_91 = tpu.vector_load_idx %arg7[%add3A_90] : memref<32xi32, #tpu.memory_space<vmem>>[vector<16xi32>], vector<16xi32>,
    %add3A_92 = arith.addi %gather3A_91, %mul3A_9 : vector<16xi32>
    %swap3A_93 = arith.constant 64 : index
    %swap3A_94 = tpu.vector_load %arg10[%swap3A_93] {strides = array<i32>} : memref<128xi32, #tpu.memory_space<vmem>>, vector<16xi32>,
    tpu.vector_store %arg10[%swap3A_93], %add3A_92 {strides = array<i32>} : memref<128xi32, #tpu.memory_space<vmem>>, vector<16xi32>,
    %add3A_95 = arith.constant 10 : i32
    %add3A_96 = vector.broadcast %add3A_95 : i32 to vector<16xi32>
    %add3A_97 = arith.addi %shift_right_arithmetic3A_11, %add3A_96 : vector<16xi32>
    %gather3A_98 = tpu.vector_load_idx %arg7[%add3A_97] : memref<32xi32, #tpu.memory_space<vmem>>[vector<16xi32>], vector<16xi32>,
    %add3A_99 = arith.addi %gather3A_98, %mul3A_9 : vector<16xi32>
    %swap3A_100 = arith.constant 80 : index
    %swap3A_101 = tpu.vector_load %arg9[%swap3A_100] {strides = array<i32>} : memref<128xi32, #tpu.memory_space<vmem>>, vector<16xi32>,
    tpu.vector_store %arg9[%swap3A_100], %add3A_99 {strides = array<i32>} : memref<128xi32, #tpu.memory_space<vmem>>, vector<16xi32>,
    %add3A_102 = arith.constant 10 : i32
    %add3A_103 = vector.broadcast %add3A_102 : i32 to vector<16xi32>
    %add3A_104 = arith.addi %shift_right_arithmetic3A_11, %add3A_103 : vector<16xi32>
    %add3A_105 = arith.constant 16 : i32
    %add3A_106 = vector.broadcast %add3A_105 : i32 to vector<16xi32>
    %add3A_107 = arith.addi %add3A_104, %add3A_106 : vector<16xi32>
    %gather3A_108 = tpu.vector_load_idx %arg7[%add3A_107] : memref<32xi32, #tpu.memory_space<vmem>>[vector<16xi32>], vector<16xi32>,
    %add3A_109 = arith.addi %gather3A_108, %mul3A_9 : vector<16xi32>
    %swap3A_110 = arith.constant 80 : index
    %swap3A_111 = tpu.vector_load %arg10[%swap3A_110] {strides = array<i32>} : memref<128xi32, #tpu.memory_space<vmem>>, vector<16xi32>,
    tpu.vector_store %arg10[%swap3A_110], %add3A_109 {strides = array<i32>} : memref<128xi32, #tpu.memory_space<vmem>>, vector<16xi32>,
    %add3A_112 = arith.constant 12 : i32
    %add3A_113 = vector.broadcast %add3A_112 : i32 to vector<16xi32>
    %add3A_114 = arith.addi %shift_right_arithmetic3A_11, %add3A_113 : vector<16xi32>
    %gather3A_115 = tpu.vector_load_idx %arg7[%add3A_114] : memref<32xi32, #tpu.memory_space<vmem>>[vector<16xi32>], vector<16xi32>,
    %add3A_116 = arith.addi %gather3A_115, %mul3A_9 : vector<16xi32>
    %swap3A_117 = arith.constant 96 : index
    %swap3A_118 = tpu.vector_load %arg9[%swap3A_117] {strides = array<i32>} : memref<128xi32, #tpu.memory_space<vmem>>, vector<16xi32>,
    tpu.vector_store %arg9[%swap3A_117], %add3A_116 {strides = array<i32>} : memref<128xi32, #tpu.memory_space<vmem>>, vector<16xi32>,
    %add3A_119 = arith.constant 12 : i32
    %add3A_120 = vector.broadcast %add3A_119 : i32 to vector<16xi32>
    %add3A_121 = arith.addi %shift_right_arithmetic3A_11, %add3A_120 : vector<16xi32>
    %add3A_122 = arith.constant 16 : i32
    %add3A_123 = vector.broadcast %add3A_122 : i32 to vector<16xi32>
    %add3A_124 = arith.addi %add3A_121, %add3A_123 : vector<16xi32>
    %gather3A_125 = tpu.vector_load_idx %arg7[%add3A_124] : memref<32xi32, #tpu.memory_space<vmem>>[vector<16xi32>], vector<16xi32>,
    %add3A_126 = arith.addi %gather3A_125, %mul3A_9 : vector<16xi32>
    %swap3A_127 = arith.constant 96 : index
    %swap3A_128 = tpu.vector_load %arg10[%swap3A_127] {strides = array<i32>} : memref<128xi32, #tpu.memory_space<vmem>>, vector<16xi32>,
    tpu.vector_store %arg10[%swap3A_127], %add3A_126 {strides = array<i32>} : memref<128xi32, #tpu.memory_space<vmem>>, vector<16xi32>,
    %add3A_129 = arith.constant 14 : i32
    %add3A_130 = vector.broadcast %add3A_129 : i32 to vector<16xi32>
    %add3A_131 = arith.addi %shift_right_arithmetic3A_11, %add3A_130 : vector<16xi32>
    %gather3A_132 = tpu.vector_load_idx %arg7[%add3A_131] : memref<32xi32, #tpu.memory_space<vmem>>[vector<16xi32>], vector<16xi32>,
    %add3A_133 = arith.addi %gather3A_132, %mul3A_9 : vector<16xi32>
    %swap3A_134 = arith.constant 112 : index
    %swap3A_135 = tpu.vector_load %arg9[%swap3A_134] {strides = array<i32>} : memref<128xi32, #tpu.memory_space<vmem>>, vector<16xi32>,
    tpu.vector_store %arg9[%swap3A_134], %add3A_133 {strides = array<i32>} : memref<128xi32, #tpu.memory_space<vmem>>, vector<16xi32>,
    %add3A_136 = arith.constant 14 : i32
    %add3A_137 = vector.broadcast %add3A_136 : i32 to vector<16xi32>
    %add3A_138 = arith.addi %shift_right_arithmetic3A_11, %add3A_137 : vector<16xi32>
    %add3A_139 = arith.constant 16 : i32
    %add3A_140 = vector.broadcast %add3A_139 : i32 to vector<16xi32>
    %add3A_141 = arith.addi %add3A_138, %add3A_140 : vector<16xi32>
    %gather3A_142 = tpu.vector_load_idx %arg7[%add3A_141] : memref<32xi32, #tpu.memory_space<vmem>>[vector<16xi32>], vector<16xi32>,
    %add3A_143 = arith.addi %gather3A_142, %mul3A_9 : vector<16xi32>
    %swap3A_144 = arith.constant 112 : index
    %swap3A_145 = tpu.vector_load %arg10[%swap3A_144] {strides = array<i32>} : memref<128xi32, #tpu.memory_space<vmem>>, vector<16xi32>,
    tpu.vector_store %arg10[%swap3A_144], %add3A_143 {strides = array<i32>} : memref<128xi32, #tpu.memory_space<vmem>>, vector<16xi32>,
    %add3A_146 = arith.constant 0 : i32
    %add3A_147 = arith.addi %mul3A_2, %add3A_146 : i32
    %mul3A_148 = arith.constant 1000 : i32
    %mul3A_149 = arith.muli %add3A_147, %mul3A_148 : i32
    %dma_start3A = arith.constant 0 : i32
    %dma_start3A_150 = tpu.memref_slice %arg12[%dma_start3A] : memref<32000xi32, #tpu.memory_space<vmem>> -> memref<16000xi32, #tpu.memory_space<vmem>>
    %dma_start3A_151 = tpu.memref_slice %arg4[%mul3A_149] : memref<1024000xi32, #tpu.memory_space<hbm>> -> memref<16000xi32, #tpu.memory_space<hbm>>
    %dma_start3A_152 = arith.constant 0 : i32
    %dma_start3A_153 = tpu.memref_slice %arg12[%dma_start3A_152] : memref<32000xi32, #tpu.memory_space<vmem>> -> memref<16000xi32, #tpu.memory_space<vmem>>
    %dma_start3A_154 = tpu.memref_slice %arg4[%mul3A_149] : memref<1024000xi32, #tpu.memory_space<hbm>> -> memref<16000xi32, #tpu.memory_space<hbm>>
    tpu.enqueue_dma source(%dma_start3A_154 : memref<16000xi32, #tpu.memory_space<hbm>>) target(%dma_start3A_153 : memref<16000xi32, #tpu.memory_space<vmem>>) target_semaphore(%arg17 : memref<!tpu.dma_semaphore, #tpu.memory_space<semaphore_mem>>)
    %dma_start3A_155 = arith.constant 0 : i32
    %dma_start3A_156 = arith.constant 0 : i32
    %dma_start3A_157 = tpu.memref_slice %arg11[%dma_start3A_155, %dma_start3A_156] : memref<256x128xf32, #tpu.memory_space<vmem>> -> memref<128x128xf32, #tpu.memory_space<vmem>>
    %dma_start3A_158 = arith.constant 0 : i32
    %dma_start3A_159 = arith.constant 0 : i32
    %dma_start3A_160 = tpu.memref_slice %arg2[%dma_start3A_158, %dma_start3A_159] : memref<8192x128xf32, #tpu.memory_space<hbm>> -> memref<8192x128xf32, #tpu.memory_space<hbm>>
    tpu.enqueue_indirect_dma source(%dma_start3A_160 : memref<8192x128xf32, #tpu.memory_space<hbm>>) target(%dma_start3A_157 : memref<128x128xf32, #tpu.memory_space<vmem>>) offsets(%arg9 : memref<128xi32, #tpu.memory_space<vmem>>) semaphore(%arg15 : memref<!tpu.dma_semaphore, #tpu.memory_space<semaphore_mem>>)
    %add3A_161 = arith.constant 16 : i32
    %add3A_162 = arith.addi %mul3A_2, %add3A_161 : i32
    %mul3A_163 = arith.constant 1000 : i32
    %mul3A_164 = arith.muli %add3A_162, %mul3A_163 : i32
    %dma_start3A_165 = arith.constant 16000 : i32
    %dma_start3A_166 = tpu.memref_slice %arg12[%dma_start3A_165] : memref<32000xi32, #tpu.memory_space<vmem>> -> memref<16000xi32, #tpu.memory_space<vmem>>
    %dma_start3A_167 = tpu.memref_slice %arg4[%mul3A_164] : memref<1024000xi32, #tpu.memory_space<hbm>> -> memref<16000xi32, #tpu.memory_space<hbm>>
    %dma_start3A_168 = arith.constant 16000 : i32
    %dma_start3A_169 = tpu.memref_slice %arg12[%dma_start3A_168] : memref<32000xi32, #tpu.memory_space<vmem>> -> memref<16000xi32, #tpu.memory_space<vmem>>
    %dma_start3A_170 = tpu.memref_slice %arg4[%mul3A_164] : memref<1024000xi32, #tpu.memory_space<hbm>> -> memref<16000xi32, #tpu.memory_space<hbm>>
    tpu.enqueue_dma source(%dma_start3A_170 : memref<16000xi32, #tpu.memory_space<hbm>>) target(%dma_start3A_169 : memref<16000xi32, #tpu.memory_space<vmem>>) target_semaphore(%arg18 : memref<!tpu.dma_semaphore, #tpu.memory_space<semaphore_mem>>)
    %dma_start3A_171 = arith.constant 128 : i32
    %dma_start3A_172 = arith.constant 0 : i32
    %dma_start3A_173 = tpu.memref_slice %arg11[%dma_start3A_171, %dma_start3A_172] : memref<256x128xf32, #tpu.memory_space<vmem>> -> memref<128x128xf32, #tpu.memory_space<vmem>>
    %dma_start3A_174 = arith.constant 0 : i32
    %dma_start3A_175 = arith.constant 0 : i32
    %dma_start3A_176 = tpu.memref_slice %arg2[%dma_start3A_174, %dma_start3A_175] : memref<8192x128xf32, #tpu.memory_space<hbm>> -> memref<8192x128xf32, #tpu.memory_space<hbm>>
    tpu.enqueue_indirect_dma source(%dma_start3A_176 : memref<8192x128xf32, #tpu.memory_space<hbm>>) target(%dma_start3A_173 : memref<128x128xf32, #tpu.memory_space<vmem>>) offsets(%arg10 : memref<128xi32, #tpu.memory_space<vmem>>) semaphore(%arg16 : memref<!tpu.dma_semaphore, #tpu.memory_space<semaphore_mem>>)
    %add3A_177 = arith.constant 0 : i32
    %add3A_178 = vector.broadcast %add3A_177 : i32 to vector<16xi32>
    %add3A_179 = arith.addi %iota3A, %add3A_178 : vector<16xi32>
    %mul3A_180 = arith.constant 8 : i32
    %mul3A_181 = vector.broadcast %mul3A_180 : i32 to vector<16xi32>
    %mul3A_182 = arith.muli %add3A_179, %mul3A_181 : vector<16xi32>
    %add3A_183 = arith.constant 16 : i32
    %add3A_184 = vector.broadcast %add3A_183 : i32 to vector<16xi32>
    %add3A_185 = arith.addi %iota3A, %add3A_184 : vector<16xi32>
    %mul3A_186 = arith.constant 8 : i32
    %mul3A_187 = vector.broadcast %mul3A_186 : i32 to vector<16xi32>
    %mul3A_188 = arith.muli %add3A_185, %mul3A_187 : vector<16xi32>
    %add3A_189 = arith.constant 0 : i32
    %add3A_190 = vector.broadcast %add3A_189 : i32 to vector<16xi32>
    %add3A_191 = arith.addi %iota3A, %add3A_190 : vector<16xi32>
    %mul3A_192 = arith.constant 1024 : i32
    %mul3A_193 = vector.broadcast %mul3A_192 : i32 to vector<16xi32>
    %mul3A_194 = arith.muli %add3A_191, %mul3A_193 : vector<16xi32>
    %add3A_195 = arith.constant 16 : i32
    %add3A_196 = vector.broadcast %add3A_195 : i32 to vector<16xi32>
    %add3A_197 = arith.addi %iota3A, %add3A_196 : vector<16xi32>
    %mul3A_198 = arith.constant 1024 : i32
    %mul3A_199 = vector.broadcast %mul3A_198 : i32 to vector<16xi32>
    %mul3A_200 = arith.muli %add3A_197, %mul3A_199 : vector<16xi32>
    %add3A_201 = arith.constant 0 : i32
    %add3A_202 = vector.broadcast %add3A_201 : i32 to vector<16xi32>
    %add3A_203 = arith.addi %iota3A, %add3A_202 : vector<16xi32>
    %mul3A_204 = arith.constant 1000 : i32
    %mul3A_205 = vector.broadcast %mul3A_204 : i32 to vector<16xi32>
    %mul3A_206 = arith.muli %add3A_203, %mul3A_205 : vector<16xi32>
    %add3A_207 = arith.constant 16 : i32
    %add3A_208 = vector.broadcast %add3A_207 : i32 to vector<16xi32>
    %add3A_209 = arith.addi %iota3A, %add3A_208 : vector<16xi32>
    %mul3A_210 = arith.constant 1000 : i32
    %mul3A_211 = vector.broadcast %mul3A_210 : i32 to vector<16xi32>
    %mul3A_212 = arith.muli %add3A_209, %mul3A_211 : vector<16xi32>
    %broadcast_in_dim3A = arith.constant 0 : i32
    %broadcast_in_dim3A_213 = vector.broadcast %broadcast_in_dim3A : i32 to vector<16xi32>
    %broadcast_in_dim3A_214 = arith.constant 0.000000e+00 : f32
    %broadcast_in_dim3A_215 = vector.broadcast %broadcast_in_dim3A_214 : f32 to vector<16xf32>
    %dma_wait3A = arith.constant 0 : i32
    %dma_wait3A_216 = tpu.memref_slice %arg12[%dma_wait3A] : memref<32000xi32, #tpu.memory_space<vmem>> -> memref<16000xi32, #tpu.memory_space<vmem>>
    %dma_wait3A_217 = tpu.memref_slice %arg4[%mul3A_149] : memref<1024000xi32, #tpu.memory_space<hbm>> -> memref<16000xi32, #tpu.memory_space<hbm>>
    %dma_wait3A_218 = arith.constant 0 : i32
    %dma_wait3A_219 = tpu.memref_slice %arg12[%dma_wait3A_218] : memref<32000xi32, #tpu.memory_space<vmem>> -> memref<16000xi32, #tpu.memory_space<vmem>>
    %dma_wait3A_220 = tpu.memref_slice %arg4[%mul3A_149] : memref<1024000xi32, #tpu.memory_space<hbm>> -> memref<16000xi32, #tpu.memory_space<hbm>>
    tpu.wait_dma2 semaphore(%arg17 : memref<!tpu.dma_semaphore, #tpu.memory_space<semaphore_mem>>) src(%dma_wait3A_220 : memref<16000xi32, #tpu.memory_space<hbm>>) dst(%dma_wait3A_219 : memref<16000xi32, #tpu.memory_space<vmem>>)
    %dma_wait3A_221 = arith.constant 0 : i32
    %dma_wait3A_222 = arith.constant 0 : i32
    %dma_wait3A_223 = tpu.memref_slice %arg11[%dma_wait3A_221, %dma_wait3A_222] : memref<256x128xf32, #tpu.memory_space<vmem>> -> memref<128x128xf32, #tpu.memory_space<vmem>>
    %dma_wait3A_224 = arith.constant 0 : i32
    %dma_wait3A_225 = arith.constant 0 : i32
    %dma_wait3A_226 = tpu.memref_slice %arg2[%dma_wait3A_224, %dma_wait3A_225] : memref<8192x128xf32, #tpu.memory_space<hbm>> -> memref<8192x128xf32, #tpu.memory_space<hbm>>
    tpu.wait_indirect_dma semaphore(%arg15 : memref<!tpu.dma_semaphore, #tpu.memory_space<semaphore_mem>>) src(%dma_wait3A_226 : memref<8192x128xf32, #tpu.memory_space<hbm>>) dst(%dma_wait3A_223 : memref<128x128xf32, #tpu.memory_space<vmem>>)
    %scan3A = arith.constant 0 : i32
    %scan3A_227 = arith.constant 125 : i32
    %scan3A_228 = arith.addi %scan3A, %scan3A_227 : i32
    %scan3A_229 = arith.constant 1 : i32
    %scan3A_230:4 = scf.for %scan3A_283 = %scan3A to %scan3A_228 step %scan3A_229 iter_args(%scan3A_284 = %broadcast_in_dim3A_215, %scan3A_285 = %broadcast_in_dim3A_215, %scan3A_286 = %broadcast_in_dim3A_215, %scan3A_287 = %broadcast_in_dim3A_215) -> (vector<16xf32>, vector<16xf32>, vector<16xf32>, vector<16xf32>)  : i32 {
      %mul3A_288 = arith.constant 8 : i32
      %mul3A_289 = arith.muli %scan3A_283, %mul3A_288 : i32
      %add3A_290 = arith.constant 0 : i32
      %add3A_291 = arith.addi %mul3A_289, %add3A_290 : i32
      %add3A_292 = vector.broadcast %add3A_291 : i32 to vector<16xi32>
      %add3A_293 = arith.addi %mul3A_206, %add3A_292 : vector<16xi32>
      %gather3A_294 = tpu.vector_load_idx %arg12[%add3A_293] : memref<32000xi32, #tpu.memory_space<vmem>>[vector<16xi32>], vector<16xi32>,
      %add3A_295 = arith.addi %mul3A_194, %gather3A_294 : vector<16xi32>
      %gather3A_296 = tpu.vector_load_idx %arg11[%broadcast_in_dim3A_213, %add3A_295] : memref<256x128xf32, #tpu.memory_space<vmem>>[vector<16xi32>, vector<16xi32>], vector<16xf32>,
      %exp3A = math.exp %gather3A_296 : vector<16xf32>
      %add3A_297 = arith.addf %scan3A_284, %exp3A : vector<16xf32>
      %mul3A_298 = arith.constant 8 : i32
      %mul3A_299 = arith.muli %scan3A_283, %mul3A_298 : i32
      %add3A_300 = arith.constant 1 : i32
      %add3A_301 = arith.addi %mul3A_299, %add3A_300 : i32
      %add3A_302 = vector.broadcast %add3A_301 : i32 to vector<16xi32>
      %add3A_303 = arith.addi %mul3A_206, %add3A_302 : vector<16xi32>
      %gather3A_304 = tpu.vector_load_idx %arg12[%add3A_303] : memref<32000xi32, #tpu.memory_space<vmem>>[vector<16xi32>], vector<16xi32>,
      %add3A_305 = arith.addi %mul3A_194, %gather3A_304 : vector<16xi32>
      %gather3A_306 = tpu.vector_load_idx %arg11[%broadcast_in_dim3A_213, %add3A_305] : memref<256x128xf32, #tpu.memory_space<vmem>>[vector<16xi32>, vector<16xi32>], vector<16xf32>,
      %exp3A_307 = math.exp %gather3A_306 : vector<16xf32>
      %add3A_308 = arith.addf %scan3A_285, %exp3A_307 : vector<16xf32>
      %mul3A_309 = arith.constant 8 : i32
      %mul3A_310 = arith.muli %scan3A_283, %mul3A_309 : i32
      %add3A_311 = arith.constant 2 : i32
      %add3A_312 = arith.addi %mul3A_310, %add3A_311 : i32
      %add3A_313 = vector.broadcast %add3A_312 : i32 to vector<16xi32>
      %add3A_314 = arith.addi %mul3A_206, %add3A_313 : vector<16xi32>
      %gather3A_315 = tpu.vector_load_idx %arg12[%add3A_314] : memref<32000xi32, #tpu.memory_space<vmem>>[vector<16xi32>], vector<16xi32>,
      %add3A_316 = arith.addi %mul3A_194, %gather3A_315 : vector<16xi32>
      %gather3A_317 = tpu.vector_load_idx %arg11[%broadcast_in_dim3A_213, %add3A_316] : memref<256x128xf32, #tpu.memory_space<vmem>>[vector<16xi32>, vector<16xi32>], vector<16xf32>,
      %exp3A_318 = math.exp %gather3A_317 : vector<16xf32>
      %add3A_319 = arith.addf %scan3A_286, %exp3A_318 : vector<16xf32>
      %mul3A_320 = arith.constant 8 : i32
      %mul3A_321 = arith.muli %scan3A_283, %mul3A_320 : i32
      %add3A_322 = arith.constant 3 : i32
      %add3A_323 = arith.addi %mul3A_321, %add3A_322 : i32
      %add3A_324 = vector.broadcast %add3A_323 : i32 to vector<16xi32>
      %add3A_325 = arith.addi %mul3A_206, %add3A_324 : vector<16xi32>
      %gather3A_326 = tpu.vector_load_idx %arg12[%add3A_325] : memref<32000xi32, #tpu.memory_space<vmem>>[vector<16xi32>], vector<16xi32>,
      %add3A_327 = arith.addi %mul3A_194, %gather3A_326 : vector<16xi32>
      %gather3A_328 = tpu.vector_load_idx %arg11[%broadcast_in_dim3A_213, %add3A_327] : memref<256x128xf32, #tpu.memory_space<vmem>>[vector<16xi32>, vector<16xi32>], vector<16xf32>,
      %exp3A_329 = math.exp %gather3A_328 : vector<16xf32>
      %add3A_330 = arith.addf %scan3A_287, %exp3A_329 : vector<16xf32>
      %mul3A_331 = arith.constant 8 : i32
      %mul3A_332 = arith.muli %scan3A_283, %mul3A_331 : i32
      %add3A_333 = arith.constant 4 : i32
      %add3A_334 = arith.addi %mul3A_332, %add3A_333 : i32
      %add3A_335 = vector.broadcast %add3A_334 : i32 to vector<16xi32>
      %add3A_336 = arith.addi %mul3A_206, %add3A_335 : vector<16xi32>
      %gather3A_337 = tpu.vector_load_idx %arg12[%add3A_336] : memref<32000xi32, #tpu.memory_space<vmem>>[vector<16xi32>], vector<16xi32>,
      %add3A_338 = arith.addi %mul3A_194, %gather3A_337 : vector<16xi32>
      %gather3A_339 = tpu.vector_load_idx %arg11[%broadcast_in_dim3A_213, %add3A_338] : memref<256x128xf32, #tpu.memory_space<vmem>>[vector<16xi32>, vector<16xi32>], vector<16xf32>,
      %exp3A_340 = math.exp %gather3A_339 : vector<16xf32>
      %add3A_341 = arith.addf %add3A_297, %exp3A_340 : vector<16xf32>
      %mul3A_342 = arith.constant 8 : i32
      %mul3A_343 = arith.muli %scan3A_283, %mul3A_342 : i32
      %add3A_344 = arith.constant 5 : i32
      %add3A_345 = arith.addi %mul3A_343, %add3A_344 : i32
      %add3A_346 = vector.broadcast %add3A_345 : i32 to vector<16xi32>
      %add3A_347 = arith.addi %mul3A_206, %add3A_346 : vector<16xi32>
      %gather3A_348 = tpu.vector_load_idx %arg12[%add3A_347] : memref<32000xi32, #tpu.memory_space<vmem>>[vector<16xi32>], vector<16xi32>,
      %add3A_349 = arith.addi %mul3A_194, %gather3A_348 : vector<16xi32>
      %gather3A_350 = tpu.vector_load_idx %arg11[%broadcast_in_dim3A_213, %add3A_349] : memref<256x128xf32, #tpu.memory_space<vmem>>[vector<16xi32>, vector<16xi32>], vector<16xf32>,
      %exp3A_351 = math.exp %gather3A_350 : vector<16xf32>
      %add3A_352 = arith.addf %add3A_308, %exp3A_351 : vector<16xf32>
      %mul3A_353 = arith.constant 8 : i32
      %mul3A_354 = arith.muli %scan3A_283, %mul3A_353 : i32
      %add3A_355 = arith.constant 6 : i32
      %add3A_356 = arith.addi %mul3A_354, %add3A_355 : i32
      %add3A_357 = vector.broadcast %add3A_356 : i32 to vector<16xi32>
      %add3A_358 = arith.addi %mul3A_206, %add3A_357 : vector<16xi32>
      %gather3A_359 = tpu.vector_load_idx %arg12[%add3A_358] : memref<32000xi32, #tpu.memory_space<vmem>>[vector<16xi32>], vector<16xi32>,
      %add3A_360 = arith.addi %mul3A_194, %gather3A_359 : vector<16xi32>
      %gather3A_361 = tpu.vector_load_idx %arg11[%broadcast_in_dim3A_213, %add3A_360] : memref<256x128xf32, #tpu.memory_space<vmem>>[vector<16xi32>, vector<16xi32>], vector<16xf32>,
      %exp3A_362 = math.exp %gather3A_361 : vector<16xf32>
      %add3A_363 = arith.addf %add3A_319, %exp3A_362 : vector<16xf32>
      %mul3A_364 = arith.constant 8 : i32
      %mul3A_365 = arith.muli %scan3A_283, %mul3A_364 : i32
      %add3A_366 = arith.constant 7 : i32
      %add3A_367 = arith.addi %mul3A_365, %add3A_366 : i32
      %add3A_368 = vector.broadcast %add3A_367 : i32 to vector<16xi32>
      %add3A_369 = arith.addi %mul3A_206, %add3A_368 : vector<16xi32>
      %gather3A_370 = tpu.vector_load_idx %arg12[%add3A_369] : memref<32000xi32, #tpu.memory_space<vmem>>[vector<16xi32>], vector<16xi32>,
      %add3A_371 = arith.addi %mul3A_194, %gather3A_370 : vector<16xi32>
      %gather3A_372 = tpu.vector_load_idx %arg11[%broadcast_in_dim3A_213, %add3A_371] : memref<256x128xf32, #tpu.memory_space<vmem>>[vector<16xi32>, vector<16xi32>], vector<16xf32>,
      %exp3A_373 = math.exp %gather3A_372 : vector<16xf32>
      %add3A_374 = arith.addf %add3A_330, %exp3A_373 : vector<16xf32>
      scf.yield %add3A_341, %add3A_352, %add3A_363, %add3A_374 : vector<16xf32>, vector<16xf32>, vector<16xf32>, vector<16xf32>
    }
    %scan3A_231 = arith.constant 125 : i32
    %add3A_232 = arith.addf %scan3A_230#0, %scan3A_230#1 : vector<16xf32>
    %add3A_233 = arith.addf %scan3A_230#2, %scan3A_230#3 : vector<16xf32>
    %add3A_234 = arith.addf %add3A_232, %add3A_233 : vector<16xf32>
    %dma_wait3A_235 = arith.constant 16000 : i32
    %dma_wait3A_236 = tpu.memref_slice %arg12[%dma_wait3A_235] : memref<32000xi32, #tpu.memory_space<vmem>> -> memref<16000xi32, #tpu.memory_space<vmem>>
    %dma_wait3A_237 = tpu.memref_slice %arg4[%mul3A_164] : memref<1024000xi32, #tpu.memory_space<hbm>> -> memref<16000xi32, #tpu.memory_space<hbm>>
    %dma_wait3A_238 = arith.constant 16000 : i32
    %dma_wait3A_239 = tpu.memref_slice %arg12[%dma_wait3A_238] : memref<32000xi32, #tpu.memory_space<vmem>> -> memref<16000xi32, #tpu.memory_space<vmem>>
    %dma_wait3A_240 = tpu.memref_slice %arg4[%mul3A_164] : memref<1024000xi32, #tpu.memory_space<hbm>> -> memref<16000xi32, #tpu.memory_space<hbm>>
    tpu.wait_dma2 semaphore(%arg18 : memref<!tpu.dma_semaphore, #tpu.memory_space<semaphore_mem>>) src(%dma_wait3A_240 : memref<16000xi32, #tpu.memory_space<hbm>>) dst(%dma_wait3A_239 : memref<16000xi32, #tpu.memory_space<vmem>>)
    %dma_wait3A_241 = arith.constant 128 : i32
    %dma_wait3A_242 = arith.constant 0 : i32
    %dma_wait3A_243 = tpu.memref_slice %arg11[%dma_wait3A_241, %dma_wait3A_242] : memref<256x128xf32, #tpu.memory_space<vmem>> -> memref<128x128xf32, #tpu.memory_space<vmem>>
    %dma_wait3A_244 = arith.constant 0 : i32
    %dma_wait3A_245 = arith.constant 0 : i32
    %dma_wait3A_246 = tpu.memref_slice %arg2[%dma_wait3A_244, %dma_wait3A_245] : memref<8192x128xf32, #tpu.memory_space<hbm>> -> memref<8192x128xf32, #tpu.memory_space<hbm>>
    tpu.wait_indirect_dma semaphore(%arg16 : memref<!tpu.dma_semaphore, #tpu.memory_space<semaphore_mem>>) src(%dma_wait3A_246 : memref<8192x128xf32, #tpu.memory_space<hbm>>) dst(%dma_wait3A_243 : memref<128x128xf32, #tpu.memory_space<vmem>>)
    %scan3A_247 = arith.constant 0 : i32
    %scan3A_248 = arith.constant 125 : i32
    %scan3A_249 = arith.addi %scan3A_247, %scan3A_248 : i32
    %scan3A_250 = arith.constant 1 : i32
    %scan3A_251:4 = scf.for %scan3A_283 = %scan3A_247 to %scan3A_249 step %scan3A_250 iter_args(%scan3A_284 = %broadcast_in_dim3A_215, %scan3A_285 = %broadcast_in_dim3A_215, %scan3A_286 = %broadcast_in_dim3A_215, %scan3A_287 = %broadcast_in_dim3A_215) -> (vector<16xf32>, vector<16xf32>, vector<16xf32>, vector<16xf32>)  : i32 {
      %mul3A_288 = arith.constant 8 : i32
      %mul3A_289 = arith.muli %scan3A_283, %mul3A_288 : i32
      %add3A_290 = arith.constant 0 : i32
      %add3A_291 = arith.addi %mul3A_289, %add3A_290 : i32
      %add3A_292 = vector.broadcast %add3A_291 : i32 to vector<16xi32>
      %add3A_293 = arith.addi %mul3A_212, %add3A_292 : vector<16xi32>
      %gather3A_294 = tpu.vector_load_idx %arg12[%add3A_293] : memref<32000xi32, #tpu.memory_space<vmem>>[vector<16xi32>], vector<16xi32>,
      %add3A_295 = arith.addi %mul3A_200, %gather3A_294 : vector<16xi32>
      %gather3A_296 = tpu.vector_load_idx %arg11[%broadcast_in_dim3A_213, %add3A_295] : memref<256x128xf32, #tpu.memory_space<vmem>>[vector<16xi32>, vector<16xi32>], vector<16xf32>,
      %exp3A = math.exp %gather3A_296 : vector<16xf32>
      %add3A_297 = arith.addf %scan3A_284, %exp3A : vector<16xf32>
      %mul3A_298 = arith.constant 8 : i32
      %mul3A_299 = arith.muli %scan3A_283, %mul3A_298 : i32
      %add3A_300 = arith.constant 1 : i32
      %add3A_301 = arith.addi %mul3A_299, %add3A_300 : i32
      %add3A_302 = vector.broadcast %add3A_301 : i32 to vector<16xi32>
      %add3A_303 = arith.addi %mul3A_212, %add3A_302 : vector<16xi32>
      %gather3A_304 = tpu.vector_load_idx %arg12[%add3A_303] : memref<32000xi32, #tpu.memory_space<vmem>>[vector<16xi32>], vector<16xi32>,
      %add3A_305 = arith.addi %mul3A_200, %gather3A_304 : vector<16xi32>
      %gather3A_306 = tpu.vector_load_idx %arg11[%broadcast_in_dim3A_213, %add3A_305] : memref<256x128xf32, #tpu.memory_space<vmem>>[vector<16xi32>, vector<16xi32>], vector<16xf32>,
      %exp3A_307 = math.exp %gather3A_306 : vector<16xf32>
      %add3A_308 = arith.addf %scan3A_285, %exp3A_307 : vector<16xf32>
      %mul3A_309 = arith.constant 8 : i32
      %mul3A_310 = arith.muli %scan3A_283, %mul3A_309 : i32
      %add3A_311 = arith.constant 2 : i32
      %add3A_312 = arith.addi %mul3A_310, %add3A_311 : i32
      %add3A_313 = vector.broadcast %add3A_312 : i32 to vector<16xi32>
      %add3A_314 = arith.addi %mul3A_212, %add3A_313 : vector<16xi32>
      %gather3A_315 = tpu.vector_load_idx %arg12[%add3A_314] : memref<32000xi32, #tpu.memory_space<vmem>>[vector<16xi32>], vector<16xi32>,
      %add3A_316 = arith.addi %mul3A_200, %gather3A_315 : vector<16xi32>
      %gather3A_317 = tpu.vector_load_idx %arg11[%broadcast_in_dim3A_213, %add3A_316] : memref<256x128xf32, #tpu.memory_space<vmem>>[vector<16xi32>, vector<16xi32>], vector<16xf32>,
      %exp3A_318 = math.exp %gather3A_317 : vector<16xf32>
      %add3A_319 = arith.addf %scan3A_286, %exp3A_318 : vector<16xf32>
      %mul3A_320 = arith.constant 8 : i32
      %mul3A_321 = arith.muli %scan3A_283, %mul3A_320 : i32
      %add3A_322 = arith.constant 3 : i32
      %add3A_323 = arith.addi %mul3A_321, %add3A_322 : i32
      %add3A_324 = vector.broadcast %add3A_323 : i32 to vector<16xi32>
      %add3A_325 = arith.addi %mul3A_212, %add3A_324 : vector<16xi32>
      %gather3A_326 = tpu.vector_load_idx %arg12[%add3A_325] : memref<32000xi32, #tpu.memory_space<vmem>>[vector<16xi32>], vector<16xi32>,
      %add3A_327 = arith.addi %mul3A_200, %gather3A_326 : vector<16xi32>
      %gather3A_328 = tpu.vector_load_idx %arg11[%broadcast_in_dim3A_213, %add3A_327] : memref<256x128xf32, #tpu.memory_space<vmem>>[vector<16xi32>, vector<16xi32>], vector<16xf32>,
      %exp3A_329 = math.exp %gather3A_328 : vector<16xf32>
      %add3A_330 = arith.addf %scan3A_287, %exp3A_329 : vector<16xf32>
      %mul3A_331 = arith.constant 8 : i32
      %mul3A_332 = arith.muli %scan3A_283, %mul3A_331 : i32
      %add3A_333 = arith.constant 4 : i32
      %add3A_334 = arith.addi %mul3A_332, %add3A_333 : i32
      %add3A_335 = vector.broadcast %add3A_334 : i32 to vector<16xi32>
      %add3A_336 = arith.addi %mul3A_212, %add3A_335 : vector<16xi32>
      %gather3A_337 = tpu.vector_load_idx %arg12[%add3A_336] : memref<32000xi32, #tpu.memory_space<vmem>>[vector<16xi32>], vector<16xi32>,
      %add3A_338 = arith.addi %mul3A_200, %gather3A_337 : vector<16xi32>
      %gather3A_339 = tpu.vector_load_idx %arg11[%broadcast_in_dim3A_213, %add3A_338] : memref<256x128xf32, #tpu.memory_space<vmem>>[vector<16xi32>, vector<16xi32>], vector<16xf32>,
      %exp3A_340 = math.exp %gather3A_339 : vector<16xf32>
      %add3A_341 = arith.addf %add3A_297, %exp3A_340 : vector<16xf32>
      %mul3A_342 = arith.constant 8 : i32
      %mul3A_343 = arith.muli %scan3A_283, %mul3A_342 : i32
      %add3A_344 = arith.constant 5 : i32
      %add3A_345 = arith.addi %mul3A_343, %add3A_344 : i32
      %add3A_346 = vector.broadcast %add3A_345 : i32 to vector<16xi32>
      %add3A_347 = arith.addi %mul3A_212, %add3A_346 : vector<16xi32>
      %gather3A_348 = tpu.vector_load_idx %arg12[%add3A_347] : memref<32000xi32, #tpu.memory_space<vmem>>[vector<16xi32>], vector<16xi32>,
      %add3A_349 = arith.addi %mul3A_200, %gather3A_348 : vector<16xi32>
      %gather3A_350 = tpu.vector_load_idx %arg11[%broadcast_in_dim3A_213, %add3A_349] : memref<256x128xf32, #tpu.memory_space<vmem>>[vector<16xi32>, vector<16xi32>], vector<16xf32>,
      %exp3A_351 = math.exp %gather3A_350 : vector<16xf32>
      %add3A_352 = arith.addf %add3A_308, %exp3A_351 : vector<16xf32>
      %mul3A_353 = arith.constant 8 : i32
      %mul3A_354 = arith.muli %scan3A_283, %mul3A_353 : i32
      %add3A_355 = arith.constant 6 : i32
      %add3A_356 = arith.addi %mul3A_354, %add3A_355 : i32
      %add3A_357 = vector.broadcast %add3A_356 : i32 to vector<16xi32>
      %add3A_358 = arith.addi %mul3A_212, %add3A_357 : vector<16xi32>
      %gather3A_359 = tpu.vector_load_idx %arg12[%add3A_358] : memref<32000xi32, #tpu.memory_space<vmem>>[vector<16xi32>], vector<16xi32>,
      %add3A_360 = arith.addi %mul3A_200, %gather3A_359 : vector<16xi32>
      %gather3A_361 = tpu.vector_load_idx %arg11[%broadcast_in_dim3A_213, %add3A_360] : memref<256x128xf32, #tpu.memory_space<vmem>>[vector<16xi32>, vector<16xi32>], vector<16xf32>,
      %exp3A_362 = math.exp %gather3A_361 : vector<16xf32>
      %add3A_363 = arith.addf %add3A_319, %exp3A_362 : vector<16xf32>
      %mul3A_364 = arith.constant 8 : i32
      %mul3A_365 = arith.muli %scan3A_283, %mul3A_364 : i32
      %add3A_366 = arith.constant 7 : i32
      %add3A_367 = arith.addi %mul3A_365, %add3A_366 : i32
      %add3A_368 = vector.broadcast %add3A_367 : i32 to vector<16xi32>
      %add3A_369 = arith.addi %mul3A_212, %add3A_368 : vector<16xi32>
      %gather3A_370 = tpu.vector_load_idx %arg12[%add3A_369] : memref<32000xi32, #tpu.memory_space<vmem>>[vector<16xi32>], vector<16xi32>,
      %add3A_371 = arith.addi %mul3A_200, %gather3A_370 : vector<16xi32>
      %gather3A_372 = tpu.vector_load_idx %arg11[%broadcast_in_dim3A_213, %add3A_371] : memref<256x128xf32, #tpu.memory_space<vmem>>[vector<16xi32>, vector<16xi32>], vector<16xf32>,
      %exp3A_373 = math.exp %gather3A_372 : vector<16xf32>
      %add3A_374 = arith.addf %add3A_330, %exp3A_373 : vector<16xf32>
      scf.yield %add3A_341, %add3A_352, %add3A_363, %add3A_374 : vector<16xf32>, vector<16xf32>, vector<16xf32>, vector<16xf32>
    }
    %scan3A_252 = arith.constant 125 : i32
    %add3A_253 = arith.addf %scan3A_251#0, %scan3A_251#1 : vector<16xf32>
    %add3A_254 = arith.addf %scan3A_251#2, %scan3A_251#3 : vector<16xf32>
    %add3A_255 = arith.addf %add3A_253, %add3A_254 : vector<16xf32>
    %swap3A_256 = arith.constant 0 : index
    %swap3A_257 = tpu.vector_load %arg13[%swap3A_256] {strides = array<i32>} : memref<32xf32, #tpu.memory_space<vmem>>, vector<16xf32>,
    tpu.vector_store %arg13[%swap3A_256], %add3A_234 {strides = array<i32>} : memref<32xf32, #tpu.memory_space<vmem>>, vector<16xf32>,
    %get3A = arith.constant 0 : index
    %get3A_258 = tpu.vector_load %arg8[%get3A] {strides = array<i32>} : memref<32xi32, #tpu.memory_space<vmem>>, vector<16xi32>,
    %shift_right_arithmetic3A_259 = arith.constant 7 : i32
    %shift_right_arithmetic3A_260 = vector.broadcast %shift_right_arithmetic3A_259 : i32 to vector<16xi32>
    %shift_right_arithmetic3A_261 = arith.shrsi %get3A_258, %shift_right_arithmetic3A_260 : vector<16xi32>
    %add3A_262 = arith.addi %mul3A_182, %shift_right_arithmetic3A_261 : vector<16xi32>
    %and3A_263 = arith.constant 127 : i32
    %and3A_264 = vector.broadcast %and3A_263 : i32 to vector<16xi32>
    %and3A_265 = arith.andi %get3A_258, %and3A_264 : vector<16xi32>
    %gather3A_266 = tpu.vector_load_idx %arg11[%add3A_262, %and3A_265] : memref<256x128xf32, #tpu.memory_space<vmem>>[vector<16xi32>, vector<16xi32>], vector<16xf32>,
    %swap3A_267 = arith.constant 0 : index
    %swap3A_268 = tpu.vector_load %arg14[%swap3A_267] {strides = array<i32>} : memref<32xf32, #tpu.memory_space<vmem>>, vector<16xf32>,
    tpu.vector_store %arg14[%swap3A_267], %gather3A_266 {strides = array<i32>} : memref<32xf32, #tpu.memory_space<vmem>>, vector<16xf32>,
    %swap3A_269 = arith.constant 16 : index
    %swap3A_270 = tpu.vector_load %arg13[%swap3A_269] {strides = array<i32>} : memref<32xf32, #tpu.memory_space<vmem>>, vector<16xf32>,
    tpu.vector_store %arg13[%swap3A_269], %add3A_255 {strides = array<i32>} : memref<32xf32, #tpu.memory_space<vmem>>, vector<16xf32>,
    %get3A_271 = arith.constant 16 : index
    %get3A_272 = tpu.vector_load %arg8[%get3A_271] {strides = array<i32>} : memref<32xi32, #tpu.memory_space<vmem>>, vector<16xi32>,
    %shift_right_arithmetic3A_273 = arith.constant 7 : i32
    %shift_right_arithmetic3A_274 = vector.broadcast %shift_right_arithmetic3A_273 : i32 to vector<16xi32>
    %shift_right_arithmetic3A_275 = arith.shrsi %get3A_272, %shift_right_arithmetic3A_274 : vector<16xi32>
    %add3A_276 = arith.addi %mul3A_188, %shift_right_arithmetic3A_275 : vector<16xi32>
    %and3A_277 = arith.constant 127 : i32
    %and3A_278 = vector.broadcast %and3A_277 : i32 to vector<16xi32>
    %and3A_279 = arith.andi %get3A_272, %and3A_278 : vector<16xi32>
    %gather3A_280 = tpu.vector_load_idx %arg11[%add3A_276, %and3A_279] : memref<256x128xf32, #tpu.memory_space<vmem>>[vector<16xi32>, vector<16xi32>], vector<16xf32>,
    %swap3A_281 = arith.constant 16 : index
    %swap3A_282 = tpu.vector_load %arg14[%swap3A_281] {strides = array<i32>} : memref<32xf32, #tpu.memory_space<vmem>>, vector<16xf32>,
    tpu.vector_store %arg14[%swap3A_281], %gather3A_280 {strides = array<i32>} : memref<32xf32, #tpu.memory_space<vmem>>, vector<16xf32>,
    "tpu.region"() ({
      %run_scoped3A = tpu.sem_alloc : memref<!tpu.dma_semaphore, #tpu.memory_space<semaphore_mem>>
      %dma_start3A_283 = tpu.memref_slice %arg5[%mul3A_2] : memref<1024xf32, #tpu.memory_space<hbm>> -> memref<32xf32, #tpu.memory_space<hbm>>
      %dma_start3A_284 = tpu.memref_slice %arg5[%mul3A_2] : memref<1024xf32, #tpu.memory_space<hbm>> -> memref<32xf32, #tpu.memory_space<hbm>>
      tpu.enqueue_dma source(%arg13 : memref<32xf32, #tpu.memory_space<vmem>>) target(%dma_start3A_284 : memref<32xf32, #tpu.memory_space<hbm>>) target_semaphore(%run_scoped3A : memref<!tpu.dma_semaphore, #tpu.memory_space<semaphore_mem>>)
      %dma_wait3A_285 = tpu.memref_slice %arg5[%mul3A_2] : memref<1024xf32, #tpu.memory_space<hbm>> -> memref<32xf32, #tpu.memory_space<hbm>>
      %dma_wait3A_286 = tpu.memref_slice %arg5[%mul3A_2] : memref<1024xf32, #tpu.memory_space<hbm>> -> memref<32xf32, #tpu.memory_space<hbm>>
      tpu.wait_dma2 semaphore(%run_scoped3A : memref<!tpu.dma_semaphore, #tpu.memory_space<semaphore_mem>>) src(%arg13 : memref<32xf32, #tpu.memory_space<vmem>>) dst(%dma_wait3A_286 : memref<32xf32, #tpu.memory_space<hbm>>)
      tpu.yield
    }) : () -> ()
    "tpu.region"() ({
      %run_scoped3A = tpu.sem_alloc : memref<!tpu.dma_semaphore, #tpu.memory_space<semaphore_mem>>
      %dma_start3A_283 = tpu.memref_slice %arg6[%mul3A_2] : memref<1024xf32, #tpu.memory_space<hbm>> -> memref<32xf32, #tpu.memory_space<hbm>>
      %dma_start3A_284 = tpu.memref_slice %arg6[%mul3A_2] : memref<1024xf32, #tpu.memory_space<hbm>> -> memref<32xf32, #tpu.memory_space<hbm>>
      tpu.enqueue_dma source(%arg14 : memref<32xf32, #tpu.memory_space<vmem>>) target(%dma_start3A_284 : memref<32xf32, #tpu.memory_space<hbm>>) target_semaphore(%run_scoped3A : memref<!tpu.dma_semaphore, #tpu.memory_space<semaphore_mem>>)
      %dma_wait3A_285 = tpu.memref_slice %arg6[%mul3A_2] : memref<1024xf32, #tpu.memory_space<hbm>> -> memref<32xf32, #tpu.memory_space<hbm>>
      %dma_wait3A_286 = tpu.memref_slice %arg6[%mul3A_2] : memref<1024xf32, #tpu.memory_space<hbm>> -> memref<32xf32, #tpu.memory_space<hbm>>
      tpu.wait_dma2 semaphore(%run_scoped3A : memref<!tpu.dma_semaphore, #tpu.memory_space<semaphore_mem>>) src(%arg14 : memref<32xf32, #tpu.memory_space<vmem>>) dst(%dma_wait3A_286 : memref<32xf32, #tpu.memory_space<hbm>>)
      tpu.yield
    }) : () -> ()
    return
  }
}

module attributes {stable_mosaic.version = 14 : i64} {
  func.func @_tc_p_body(%arg0: memref<1000x64xf32, #tpu.memory_space<vmem>>, %arg1: memref<1000x64xf32, #tpu.memory_space<vmem>>, %arg2: memref<8192x128xf32, #tpu.memory_space<vmem>>) attributes {dimension_semantics = [], scalar_prefetch = 0 : i64, scratch_operands = 0 : i64, tpu.core_type = #tpu.core_type<tc>} {
    %get3A = arith.constant 0 : index
    %get3A_0 = arith.constant 0 : index
    %get3A_1 = vector.load %arg0[%get3A, %get3A_0] : memref<1000x64xf32, #tpu.memory_space<vmem>>, vector<1000x64xf32>
    %get3A_2 = arith.constant 0 : index
    %get3A_3 = arith.constant 0 : index
    %get3A_4 = vector.load %arg1[%get3A_2, %get3A_3] : memref<1000x64xf32, #tpu.memory_space<vmem>>, vector<1000x64xf32>
    %dot_general3A = arith.constant dense<0.000000e+00> : vector<1000x1000xf32>
    %dot_general3A_5 = tpu.matmul %get3A_1, %get3A_4, %dot_general3A {dimension_numbers = #tpu.dot_dimension_numbers<[1], [1], [0], [0], [0, 0, 1, 0], [], []>, precision = #tpu.contract_precision<fp32>, transpose_lhs_hint = false} : vector<1000x64xf32>, vector<1000x64xf32>, vector<1000x1000xf32> -> vector<1000x1000xf32>
    %slice3A = vector.extract_strided_slice %dot_general3A_5 {offsets = [0, 0], sizes = [1000, 128], strides = [1, 1]} : vector<1000x1000xf32> to vector<1000x128xf32>
    %swap3A = arith.constant 0 : index
    %swap3A_6 = arith.constant 0 : index
    %swap3A_7 = vector.load %arg2[%swap3A, %swap3A_6] : memref<8192x128xf32, #tpu.memory_space<vmem>>, vector<1000x128xf32>
    tpu.vector_store %arg2[%swap3A, %swap3A_6], %slice3A {strides = array<i32>} : memref<8192x128xf32, #tpu.memory_space<vmem>>, vector<1000x128xf32>,
    %slice3A_8 = vector.extract_strided_slice %dot_general3A_5 {offsets = [0, 128], sizes = [1000, 128], strides = [1, 1]} : vector<1000x1000xf32> to vector<1000x128xf32>
    %swap3A_9 = arith.constant 1024 : index
    %swap3A_10 = arith.constant 0 : index
    %swap3A_11 = vector.load %arg2[%swap3A_9, %swap3A_10] : memref<8192x128xf32, #tpu.memory_space<vmem>>, vector<1000x128xf32>
    tpu.vector_store %arg2[%swap3A_9, %swap3A_10], %slice3A_8 {strides = array<i32>} : memref<8192x128xf32, #tpu.memory_space<vmem>>, vector<1000x128xf32>,
    %slice3A_12 = vector.extract_strided_slice %dot_general3A_5 {offsets = [0, 256], sizes = [1000, 128], strides = [1, 1]} : vector<1000x1000xf32> to vector<1000x128xf32>
    %swap3A_13 = arith.constant 2048 : index
    %swap3A_14 = arith.constant 0 : index
    %swap3A_15 = vector.load %arg2[%swap3A_13, %swap3A_14] : memref<8192x128xf32, #tpu.memory_space<vmem>>, vector<1000x128xf32>
    tpu.vector_store %arg2[%swap3A_13, %swap3A_14], %slice3A_12 {strides = array<i32>} : memref<8192x128xf32, #tpu.memory_space<vmem>>, vector<1000x128xf32>,
    %slice3A_16 = vector.extract_strided_slice %dot_general3A_5 {offsets = [0, 384], sizes = [1000, 128], strides = [1, 1]} : vector<1000x1000xf32> to vector<1000x128xf32>
    %swap3A_17 = arith.constant 3072 : index
    %swap3A_18 = arith.constant 0 : index
    %swap3A_19 = vector.load %arg2[%swap3A_17, %swap3A_18] : memref<8192x128xf32, #tpu.memory_space<vmem>>, vector<1000x128xf32>
    tpu.vector_store %arg2[%swap3A_17, %swap3A_18], %slice3A_16 {strides = array<i32>} : memref<8192x128xf32, #tpu.memory_space<vmem>>, vector<1000x128xf32>,
    %slice3A_20 = vector.extract_strided_slice %dot_general3A_5 {offsets = [0, 512], sizes = [1000, 128], strides = [1, 1]} : vector<1000x1000xf32> to vector<1000x128xf32>
    %swap3A_21 = arith.constant 4096 : index
    %swap3A_22 = arith.constant 0 : index
    %swap3A_23 = vector.load %arg2[%swap3A_21, %swap3A_22] : memref<8192x128xf32, #tpu.memory_space<vmem>>, vector<1000x128xf32>
    tpu.vector_store %arg2[%swap3A_21, %swap3A_22], %slice3A_20 {strides = array<i32>} : memref<8192x128xf32, #tpu.memory_space<vmem>>, vector<1000x128xf32>,
    %slice3A_24 = vector.extract_strided_slice %dot_general3A_5 {offsets = [0, 640], sizes = [1000, 128], strides = [1, 1]} : vector<1000x1000xf32> to vector<1000x128xf32>
    %swap3A_25 = arith.constant 5120 : index
    %swap3A_26 = arith.constant 0 : index
    %swap3A_27 = vector.load %arg2[%swap3A_25, %swap3A_26] : memref<8192x128xf32, #tpu.memory_space<vmem>>, vector<1000x128xf32>
    tpu.vector_store %arg2[%swap3A_25, %swap3A_26], %slice3A_24 {strides = array<i32>} : memref<8192x128xf32, #tpu.memory_space<vmem>>, vector<1000x128xf32>,
    %slice3A_28 = vector.extract_strided_slice %dot_general3A_5 {offsets = [0, 768], sizes = [1000, 128], strides = [1, 1]} : vector<1000x1000xf32> to vector<1000x128xf32>
    %swap3A_29 = arith.constant 6144 : index
    %swap3A_30 = arith.constant 0 : index
    %swap3A_31 = vector.load %arg2[%swap3A_29, %swap3A_30] : memref<8192x128xf32, #tpu.memory_space<vmem>>, vector<1000x128xf32>
    tpu.vector_store %arg2[%swap3A_29, %swap3A_30], %slice3A_28 {strides = array<i32>} : memref<8192x128xf32, #tpu.memory_space<vmem>>, vector<1000x128xf32>,
    %slice3A_32 = vector.extract_strided_slice %dot_general3A_5 {offsets = [0, 896], sizes = [1000, 104], strides = [1, 1]} : vector<1000x1000xf32> to vector<1000x104xf32>
    %swap3A_33 = arith.constant 7168 : index
    %swap3A_34 = arith.constant 0 : index
    %swap3A_35 = vector.load %arg2[%swap3A_33, %swap3A_34] : memref<8192x128xf32, #tpu.memory_space<vmem>>, vector<1000x104xf32>
    tpu.vector_store %arg2[%swap3A_33, %swap3A_34], %slice3A_32 {strides = array<i32>} : memref<8192x128xf32, #tpu.memory_space<vmem>>, vector<1000x104xf32>,
    return
  }
}

module attributes {stable_mosaic.version = 14 : i64} {
  func.func @_tc_final_body(%arg0: memref<8x128xf32, #tpu.memory_space<vmem>>, %arg1: memref<8x128xf32, #tpu.memory_space<vmem>>, %arg2: memref<1x1xf32, #tpu.memory_space<vmem>>) attributes {dimension_semantics = [], scalar_prefetch = 0 : i64, scratch_operands = 0 : i64, tpu.core_type = #tpu.core_type<tc>} {
    %get3A = arith.constant 0 : index
    %get3A_0 = arith.constant 0 : index
    %get3A_1 = vector.load %arg0[%get3A, %get3A_0] : memref<8x128xf32, #tpu.memory_space<vmem>>, vector<8x128xf32>
    %log3A = math.log %get3A_1 : vector<8x128xf32>
    %reduce_sum3A = vector.shape_cast %log3A : vector<8x128xf32> to vector<1x8x128xf32>
    %reduce_sum3A_2 = arith.constant dense<0.000000e+00> : vector<1xf32>
    %reduce_sum3A_3 = vector.multi_reduction <add>, %reduce_sum3A, %reduce_sum3A_2 [1, 2] : vector<1x8x128xf32> to vector<1xf32>
    %reduce_sum3A_4 = vector.shape_cast %reduce_sum3A_3 : vector<1xf32> to vector<1x1x1xf32>
    %reduce_sum3A_5 = vector.extract %reduce_sum3A_4[0, 0, 0] : f32 from vector<1x1x1xf32>
    %div3A = arith.constant 1.024000e+03 : f32
    %div3A_6 = arith.divf %reduce_sum3A_5, %div3A : f32
    %get3A_7 = arith.constant 0 : index
    %get3A_8 = arith.constant 0 : index
    %get3A_9 = vector.load %arg1[%get3A_7, %get3A_8] : memref<8x128xf32, #tpu.memory_space<vmem>>, vector<8x128xf32>
    %reduce_sum3A_10 = vector.shape_cast %get3A_9 : vector<8x128xf32> to vector<1x8x128xf32>
    %reduce_sum3A_11 = arith.constant dense<0.000000e+00> : vector<1xf32>
    %reduce_sum3A_12 = vector.multi_reduction <add>, %reduce_sum3A_10, %reduce_sum3A_11 [1, 2] : vector<1x8x128xf32> to vector<1xf32>
    %reduce_sum3A_13 = vector.shape_cast %reduce_sum3A_12 : vector<1xf32> to vector<1x1x1xf32>
    %reduce_sum3A_14 = vector.extract %reduce_sum3A_13[0, 0, 0] : f32 from vector<1x1x1xf32>
    %div3A_15 = arith.constant 1.024000e+03 : f32
    %div3A_16 = arith.divf %reduce_sum3A_14, %div3A_15 : f32
    %sub3A = arith.subf %div3A_6, %div3A_16 : f32
    %reshape3A = vector.broadcast %sub3A : f32 to vector<1x1xf32>
    %swap3A = arith.constant 0 : index
    %swap3A_17 = arith.constant 0 : index
    %swap3A_18 = vector.load %arg2[%swap3A, %swap3A_17] : memref<1x1xf32, #tpu.memory_space<vmem>>, vector<1x1xf32>
    tpu.vector_store %arg2[%swap3A, %swap3A_17], %reshape3A {strides = array<i32>} : memref<1x1xf32, #tpu.memory_space<vmem>>, vector<1x1xf32>,
    return
  }
}

</mosaic_0001>

<sc_bundles>
// kernel: kernel.5.cloned.1.call-start
scs
__scs_entry_jumppad:
0x0: {  	(pc) =	sbr.rel $0x88, $3  }
0x1: {  	(tag) =	ssettag $0x0;
	lr =	simm.s32 $0x1  }
0x2: {  	[smem:$0x3F9C] =	sst lr;
	_ =	strace $0xD0000000  }
0x3: {  	_ = 	snop  }
0x4: {  	_ = 	snop  }
0x5: {  	_ = 	snop  }
0x6: {  	_ = 	snop  }
0x7: {  	_ = 	snop  }
__scs_overlays_trampoline_lowered:
0x8: {  	[smem:$0x3FAB] =	sst s0  }
0x9: {  	[smem:$0x3FAC] =	sst s1  }
0xa: {  	[smem:$0x3FAD] =	sst s2  }
0xb: {  	[smem:$0x3FAE] =	sst s3  }
0xc: {  	[smem:$0x3FAF] =	sst s4  }
0xd: {  	[smem:$0x3FB0] =	sst s5  }
0xe: {  	[smem:$0x3FB1] =	sst s6  }
0xf: {  	[smem:$0x3FB2] =	sst s7  }
0x10: {  	[smem:$0x3FB3] =	sst s8  }
0x11: {  	[smem:$0x3FB4] =	sst s9;
	s0 =	simm.s32 @!p0 $0x0  }
0x12: {  	s1 =	sld [smem:$0x3F9A];
	s0 =	simm.s32 @p0 $0x1  }
0x13: {  	[smem:$0x3FB5] =	sst s0;
	s0 =	simm.s32 @!p1 $0x0  }
0x14: {  	s2 =	sld [smem:$0x3F99];
	s0 =	simm.s32 @p1 $0x1  }
0x15: {  	[smem:$0x3FB6] =	sst s0;
	s0 =	simm.s32 @!p2 $0x0  }
0x16: {  	s3 =	sld [smem:$0x3FDB];
	s0 =	simm.s32 @p2 $0x1  }
0x17: {  	s4 =	simm.s32 $0x1BF5;
	[smem:$0x3FB8] =	sst s0  }
0x18: {  	s0 =	sld [smem:$0x3F9B];
	_ =	swait.ge [sflag:s4], $0x0  }
0x19: {  	s7 =	sld [smem:$0x3F9C]  }
0x1a: {  	s8 =	sadd.s32 $0xFFFFE003, lr  }
0x1b: {  	s9 =	sadd.s32 $0xFFFFFEF7, lr;
	s5 =	simm.s32 $0xFFFFFFFF;
	p2 =	slt.u32 s8, $0xFFFFF086  }
0x1c: {  	p1 =	slt.u32 s9, $0xF7A;
	s5 =	simm.s32 @!p2 $0x0  }
0x1d: {  	s5 =	simm.s32 @p1 $0x1;
	p0 =	seq.s32 s7, s2  }
0x1e: {  	s7 =	smul.u32 @!p0 $0xF7A, s2;
	p2 =	seq.s32 @!p0 s5, $0x0  }
0x1f: {  	s9 =	smul.u32 $0xF7A, s1;
	s8 =	simm.s32 @!p0 $0x1BF5;
	p2 =	por !p2, p0  }
0x20: {  	[sflag:s8] =	ssyncset.s32 @!p0 $0xFFFFF086;
	s6 =	sadd.s32 @!p0 s3, s7;
	s7 =	simm.s32 @!p0 $0x108  }
0x21: {  	s3 =	sadd.s32 s3, s9;
	s6 =	sadd.s32 @!p0 $0x88, s6;
	s7 =	simm.s32 @p2 $0x1082  }
0x22: {  	[simem:s7], [sflag:s8] =	dma.local @!p0 [hbm:s6], $0xF7A  }
0x23: {  	s9 =	sor.u32 $0xD0000000, s2;
	s6 =	simm.s32 $0x108;
	_ =	swait.ge @!p0 [sflag:s8], $0x0  }
0x24: {  	s3 =	sadd.s32 $0x88, s3;
	s6 =	simm.s32 @!p1 $0x1082;
	[sflag:s4] =	ssyncset.s32 $0xFFFFF086  }
0x25: {  	[simem:s6], [sflag:s4] =	dma.local [hbm:s3], $0xF7A  }
0x26: {  	[smem:$0x3F9C] =	sst s1;
	(tag) =	ssettag s2;
	_ =	strace s9  }
0x27: {  	s1 =	sld [smem:$0x3FAC]  }
0x28: {  	s2 =	sld [smem:$0x3FAD]  }
0x29: {  	s4 =	sld [smem:$0x3FAF]  }
0x2a: {  	p0 =	seq.s32 s5, $0x0;
	s5 =	sld [smem:$0x3FB0]  }
0x2b: {  	s6 =	sld [smem:$0x3FB1]  }
0x2c: {  	s7 =	sld [smem:$0x3FB2]  }
0x2d: {  	s3 =	simm.s32 $0x108;
	s8 =	sld [smem:$0x3FB3]  }
0x2e: {  	s3 =	simm.s32 @!p0 $0x1082;
	s9 =	sld [smem:$0x3FB4]  }
0x2f: {  	lr =	sadd.s32 s0, s3;
	s0 =	sld [smem:$0x3FAB]  }
0x30: {  	s3 =	sld [smem:$0x3FAE]  }
0x31: {  	[smem:$0x3FB7] =	sst s10  }
0x32: {  	s10 =	sld [smem:$0x3FB5];
	_ =	sdelay $0x3  }
0x33: {  	p0 =	seq.s32 s10, $0x1;
	s10 =	sld [smem:$0x3FB7];
	_ =	sdelay $0x3  }
0x34: {  	[smem:$0x3FB7] =	sst s10  }
0x35: {  	s10 =	sld [smem:$0x3FB6];
	_ =	sdelay $0x3  }
0x36: {  	p1 =	seq.s32 s10, $0x1;
	s10 =	sld [smem:$0x3FB7];
	_ =	sdelay $0x3  }
0x37: {  	[smem:$0x3FB7] =	sst s10  }
0x38: {  	s10 =	sld [smem:$0x3FB8]  }
0x39: {  	_ = 	snop;
	(pc) =	sbr.ind lr, $3  }
0x3a: {  	_ = 	snop  }
0x3b: {  	_ = 	snop  }
0x3c: {  	p2 =	seq.s32 s10, $0x1;
	s10 =	sld [smem:$0x3FB7]  }
0x3d: {  	_ =	shalt  }
0x3e: {  	_ =	shalt  }
0x3f: {  	_ =	shalt  }
0x40: {  	_ =	shalt  }
0x41: {  	_ =	shalt  }
0x42: {  	_ =	shalt  }
0x43: {  	_ =	shalt  }
0x44: {  	_ =	shalt  }
0x45: {  	_ =	shalt  }
0x46: {  	_ =	shalt  }
0x47: {  	_ =	shalt  }
0x48: {  	_ =	shalt  }
0x49: {  	_ =	shalt  }
0x4a: {  	_ =	shalt  }
0x4b: {  	_ =	shalt  }
0x4c: {  	_ =	shalt  }
0x4d: {  	_ =	shalt  }
0x4e: {  	_ =	shalt  }
0x4f: {  	_ =	shalt  }
0x50: {  	_ =	shalt  }
0x51: {  	_ =	shalt  }
0x52: {  	_ =	shalt  }
0x53: {  	_ =	shalt  }
0x54: {  	_ =	shalt  }
0x55: {  	_ =	shalt  }
0x56: {  	_ =	shalt  }
0x57: {  	_ =	shalt  }
0x58: {  	_ =	shalt  }
0x59: {  	_ =	shalt  }
0x5a: {  	_ =	shalt  }
0x5b: {  	_ =	shalt  }
0x5c: {  	_ =	shalt  }
0x5d: {  	_ =	shalt  }
0x5e: {  	_ =	shalt  }
0x5f: {  	_ =	shalt  }
0x60: {  	_ =	shalt  }
0x61: {  	_ =	shalt  }
0x62: {  	_ =	shalt  }
0x63: {  	_ =	shalt  }
0x64: {  	_ =	shalt  }
0x65: {  	_ =	shalt  }
0x66: {  	_ =	shalt  }
0x67: {  	_ =	shalt  }
0x68: {  	_ =	shalt  }
0x69: {  	_ =	shalt  }
0x6a: {  	_ =	shalt  }
0x6b: {  	_ =	shalt  }
0x6c: {  	_ =	shalt  }
0x6d: {  	_ =	shalt  }
0x6e: {  	_ =	shalt  }
0x6f: {  	_ =	shalt  }
0x70: {  	_ =	shalt  }
0x71: {  	_ =	shalt  }
0x72: {  	_ =	shalt  }
0x73: {  	_ =	shalt  }
0x74: {  	_ =	shalt  }
0x75: {  	_ =	shalt  }
0x76: {  	_ =	shalt  }
0x77: {  	_ =	shalt  }
0x78: {  	_ =	shalt  }
0x79: {  	_ =	shalt  }
0x7a: {  	_ =	shalt  }
0x7b: {  	_ =	shalt  }
0x7c: {  	_ =	shalt  }
0x7d: {  	_ =	shalt  }
0x7e: {  	_ =	shalt  }
0x7f: {  	_ =	shalt  }
0x80: {  	_ =	shalt  }
0x81: {  	_ =	shalt  }
0x82: {  	_ =	shalt  }
0x83: {  	_ =	shalt  }
0x84: {  	_ =	shalt  }
0x85: {  	_ =	shalt  }
0x86: {  	_ =	shalt  }
0x87: {  	_ =	shalt  }
.Lfunc_end0:
.L_simem_size_0:
called_computation_lowered:
.L_overlay_start_0:
0x88: {  	s2 =	sld [smem:$0x3FD9]  }
0x89: {  	s3 =	sld [smem:$0x3FFE];
	_ =	sdelay $0x1  }
0x8a: {  	s1 =	srdreg.scid  }
0x8b: {  	s0 =	sand.u32 $0x1, s1  }
0x8c: {  	s16 =	sshll.u32 s0, $0xA;
	s2 =	sadd.s32 s3, s2  }
0x8d: {  	s2 =	sadd.s32 s2, s16  }
0x8e: {  	[smem:$0x3FC3] =	sst s2  }
0x8f: {  	_ = 	snop  }
0x90: {  	(tm) =	ssettm $0x1  }
0x91: {  	s17 =	sld [smem:$0x3FFB];
	_ =	sdelay $0x3  }
0x92: {  	_ =	strace s17  }
0x93: {  	s2 =	sld [smem:$0x3FFC];
	_ =	sdelay $0x3  }
0x94: {  	_ =	strace s2  }
0x95: {  	s2 =	sld [smem:$0x3FFD];
	_ =	sdelay $0x3  }
0x96: {  	_ =	strace s2  }
0x97: {  	_ =	strace $0x8FFFFFFF  }
0x98: {  	s18 =	sld [smem:$0x3FDB];
	_ =	sdelay $0x1  }
0x99: {  	s19 =	simm.s32 $_scs_section_size  }
0x9a: {  	s4 =	simm.s32 $_size__tile_overlayer_lowered;
	s5 =	simm.s32 $_tile_overlayer_lowered  }
0x9b: {  	s22 =	simm.s32 $0x1BFF;
	s21 =	sshll.u32 s5, $0x1;
	s2 =	sadd.s32 s19, s18  }
0x9c: {  	s6 =	simm.s32 $0x0;
	s20 =	sshll.u32 s4, $0x1;
	s4 =	sadd.s32 s21, s2  }
0x9d: {  	[timem:s6], [sflag:s22] =	dma.local [hbm:s4], s20  }
0x9e: {  	_ =	swait.ge [sflag:s22], s20  }
0x9f: {  	s3 =	ssub.s32 $0x0, s20;
	[sflag:s22] =	ssyncset.done $0x0  }
0xa0: {  	[sflag:s22] =	ssyncadd.s32 s3;
	_ =	sdelay $0x1  }
0xa1: {  	s23 =	simm.s32 $0x1B8B  }
0xa2: {  	_ =	swait.ge [sflag:s23], $0x1  }
0xa3: {  	[sflag:s23] =	ssyncset.done $0x0  }
0xa4: {  	s25 =	simm.s32 $0x1B8E;
	s24 =	sld [smem:$0x3FFE];
	[sflag:s23] =	ssyncadd.s32 $0xFFFFFFFF  }
0xa5: {  	s26 =	simm.s32 $execute0_lowered;
	[smem:$0x3FD2] =	sst s25  }
0xa6: {  	s4 =	sshll.u32 s26, $0x1;
	_ =	strace $0x80000046;
	[dreg:$0x1] =	wrdreg $0xFFFFFFFF  }
0xa7: {  	s28 =	simm.s32 $_size_execute0_lowered;
	s2 =	sadd.s32 s2, s4;
	[dreg:$0x0] =	wrdreg $0x0  }
0xa8: {  	s4 =	sshll.u32 s28, $0x1;
	[dreg:$0x2] =	wrdreg s2  }
0xa9: {  	[dreg:$0x3] =	wrdreg s4  }
0xaa: {  	[dreg:$0x4] =	wrdreg $0xC0  }
0xab: {  	_ =	task [dreg:s6], $0x5FFFF  }
0xac: {  	[dreg:$0x1] =	wrdreg $0xFFFFFFFF  }
0xad: {  	[dreg:$0x0] =	wrdreg $0x60  }
0xae: {  	[dreg:$0x2] =	wrdreg s24  }
0xaf: {  	[dreg:$0x3] =	wrdreg $0x9  }
0xb0: {  	_ =	task.clear_ibuf [dreg:s6], $0x4FFFF;
	_ =	strace $0x90000046  }
0xb1: {  	s29 =	simm.s32 $0x9;
	_ =	strace $0x80000048  }
0xb2: {  	_ =	swait.ge [sflag:s29], $0x1  }
0xb3: {  	[sflag:s29] =	ssyncadd.s32 $0xFFFFFFFF  }
0xb4: {  	_ =	strace $0x90000048  }
0xb5: {  	_ =	sfence  }
0xb6: {  	s30 =	sld [smem:$0x0];
	_ =	sdelay $0x2  }
0xb7: {  	s31 =	sshll.u32 s1, $0xD;
	s1 =	sshrl.u32 s1, $0x2  }
0xb8: {  	s3 =	sand.u32 $0x4000, s31;
	s1 =	sadd.s32 s1, s30  }
0xb9: {  	s0 =	sor.u32 s3, s0;
	s1 =	sshll.u32 s1, $0x11  }
0xba: {  	s0 =	sor.u32 s1, s0  }
0xbb: {  	s0 =	sadd.s32 $0x8F2B, s0  }
0xbc: {  	[sflag:s0] =	ssyncadd.remote.s32 $0x1  }
0xbd: {  	_ =	sfence.sel $0xFFFF  }
0xbe: {  	[dreg:$0x0] =	wrdreg $0xFFFFFFFF;
	(pc) =	sbr.abs _section_cstart, $3  }
0xbf: {  	[dreg:$0x1] =	wrdreg $0xFFFFFFFF  }
0xc0: {  	_ =	task.clear_ibuf [dreg:s6], $0x2FFFF;
	_ =	strace $0x9FFFFFFF  }
0xc1: {  	(tm) =	ssettm $0x7FFFFFFF  }
tec
execute0_lowered:
.L_overlay_start_1:
0x0: {  	(tag) =	ssettag $0x1  }
0x1: {  	s4 =	rddreg [dreg:$0x0]  }
0x2: {  	s0 =	rddreg [dreg:$0x1]  }
0x3: {  	s2 =	simm.s32 $0x0;
	s3 =	srdreg.scid;
	s1 =	stileid.u32  }
0x4: {  	s12 =	simm.s32 $0x20;
	s13 =	simm.s32 $0x8140;
	s14 =	simm.s32 $0x80  }
0x5: {  	s15 =	simm.s32 $0x40;
	s16 =	simm.s32 $0x140;
	s17 =	simm.s32 $0xBFC0  }
0x6: {  	s18 =	simm.s32 $0xC0;
	s19 =	simm.s32 $0x4140;
	s20 =	simm.s32 $0x3  }
0x7: {  	s21 =	simm.s32 $0x1;
	s22 =	simm.s32 $0x4;
	s23 =	simm.s32 $0x2  }
0x8: {  	v14 =	vlaneseq.u32;
	s24 =	simm.s32 $0xFE40;
	s25 =	simm.s32 $0xFE60;
	s26 =	simm.s32 $0x0  }
0x9: {  	[smem:$0x7FF] =	sst s2;
	s5 =	sand.u32 $0x1, s3;
	s6 =	sshll.u32 s1, $0x1;
	v0 =	vshrl.u32 v14, $0x3  }
0xa: {  	s3 =	sadd.s32 $0x20A00, s4;
	s9 =	sadd.s32 $0x1600, s4;
	v1 =	vand.u32 $0x7, v14;
	v13 =	vmul.u32 $0x3E8, v14;
	v14 =	vmul.u32 $0x400, v14;
	s6 =	sor.u32 s5, s6  }
0xb: {  	_ =	strace $0x80000047;
	s5 =	ssub.s32 $0x2, s5;
	v1 =	vmul.u32 $0x400, v1;
	v2 =	vor.u32 $0x10, v0;
	v3 =	vor.u32 $0x2, v0;
	s8 =	smul.u32 $0x7D00, s6  }
0xc: {  	v4 =	vor.u32 $0x12, v0;
	v5 =	vor.u32 $0x4, v0;
	v6 =	vor.u32 $0x14, v0;
	s7 =	sshll.u32 s6, $0x2;
	s30 =	sshrl.u32 s5, $0x1;
	s6 =	smul.u32 $0xFA0, s6  }
0xd: {  	v7 =	vor.u32 $0x6, v0;
	v8 =	vor.u32 $0x16, v0;
	v9 =	vor.u32 $0x8, v0;
	s10 =	sadd.s32 s7, s4;
	s11 =	ssub.s32 s5, s30;
	s31 =	sshrl.u32 s8, $0x3  }
0xe: {  	v10 =	vor.u32 $0x18, v0;
	v11 =	vor.u32 $0xA, v0;
	v12 =	vor.u32 $0x1A, v0;
	s4 =	sadd.s32 $0x40A00, s10;
	s5 =	sadd.s32 $0x40A80, s10;
	s6 =	sadd.s32 s9, s6  }
0xf: {  	v15 =	vor.u32 $0xC, v0;
	v16 =	vor.u32 $0x1C, v0;
	v17 =	vor.u32 $0xE, v0;
	s8 =	sadd.s32 $0x40C00, s10;
	s7 =	sadd.s32 s9, s31;
	s9 =	sadd.s32 $0x40E00, s10  }
0x10: {  	v18 =	vor.u32 $0x1E, v0;
	v19 =	vadd.s32 $0x3E80, v13;
	v20 =	vor.u32 $0x4000, v14;
	s10 =	smax.u32 s11, $0x1;
	s11 =	simm.s32 $0x5;
	s7 =	sadd.s32 $0x7D0, s7  }
.LBB2_1:
0x11: {  	[tilespmem:s2], [sflag:$0x5] =	stream.linear.gather [hbm4b:s4+s2], $0x20, $0x38;
	[tilespmem:$0xFE80] =	vst v63  }
0x12: {  	_ =	swait.ge [sflag:s11], $0x20  }
0x13: {  	[sflag:s11] =	ssyncset.done $0x0  }
0x14: {  	[sflag:s11] =	ssyncadd.s32 $0xFFFFFFE0  }
0x15: {  	[tilespmem:s12], [sflag:$0x5] =	stream.linear.gather [hbm4b:s5+s2], $0x20, $0x38;
	[tilespmem:$0xFE80] =	vst v63  }
0x16: {  	_ =	swait.ge [sflag:s11], $0x20  }
0x17: {  	[sflag:s11] =	ssyncset.done $0x0  }
0x18: {  	[sflag:s11] =	ssyncadd.s32 $0xFFFFFFE0  }
0x19: {  	v21 =	vld.idx.msk [tilespmem:v0+s2+$0x0], $0xffff;
	_ =	sdelay $0x4  }
0x1a: {  	v21 =	vadd.s32 v1, v21  }
0x1b: {  	[tilespmem:$0x40] =	vst v21  }
0x1c: {  	v21 =	vld.idx.msk [tilespmem:v2+s2+$0x0], $0xffff;
	_ =	sdelay $0x4  }
0x1d: {  	v21 =	vadd.s32 v1, v21  }
0x1e: {  	[tilespmem:$0xC0] =	vst v21  }
0x1f: {  	v21 =	vld.idx.msk [tilespmem:v3+s2+$0x0], $0xffff;
	_ =	sdelay $0x4  }
0x20: {  	v21 =	vadd.s32 v1, v21  }
0x21: {  	[tilespmem:$0x50] =	vst v21  }
0x22: {  	v21 =	vld.idx.msk [tilespmem:v4+s2+$0x0], $0xffff;
	_ =	sdelay $0x4  }
0x23: {  	v21 =	vadd.s32 v1, v21  }
0x24: {  	[tilespmem:$0xD0] =	vst v21  }
0x25: {  	v21 =	vld.idx.msk [tilespmem:v5+s2+$0x0], $0xffff;
	_ =	sdelay $0x4  }
0x26: {  	v21 =	vadd.s32 v1, v21  }
0x27: {  	[tilespmem:$0x60] =	vst v21  }
0x28: {  	v21 =	vld.idx.msk [tilespmem:v6+s2+$0x0], $0xffff;
	_ =	sdelay $0x4  }
0x29: {  	v21 =	vadd.s32 v1, v21  }
0x2a: {  	[tilespmem:$0xE0] =	vst v21  }
0x2b: {  	v21 =	vld.idx.msk [tilespmem:v7+s2+$0x0], $0xffff;
	_ =	sdelay $0x4  }
0x2c: {  	v21 =	vadd.s32 v1, v21  }
0x2d: {  	[tilespmem:$0x70] =	vst v21  }
0x2e: {  	v21 =	vld.idx.msk [tilespmem:v8+s2+$0x0], $0xffff;
	_ =	sdelay $0x4  }
0x2f: {  	v21 =	vadd.s32 v1, v21  }
0x30: {  	[tilespmem:$0xF0] =	vst v21  }
0x31: {  	v21 =	vld.idx.msk [tilespmem:v9+s2+$0x0], $0xffff;
	_ =	sdelay $0x4  }
0x32: {  	v21 =	vadd.s32 v1, v21  }
0x33: {  	[tilespmem:$0x80] =	vst v21  }
0x34: {  	v21 =	vld.idx.msk [tilespmem:v10+s2+$0x0], $0xffff;
	_ =	sdelay $0x4  }
0x35: {  	v21 =	vadd.s32 v1, v21  }
0x36: {  	[tilespmem:$0x100] =	vst v21  }
0x37: {  	v21 =	vld.idx.msk [tilespmem:v11+s2+$0x0], $0xffff;
	_ =	sdelay $0x4  }
0x38: {  	v21 =	vadd.s32 v1, v21  }
0x39: {  	[tilespmem:$0x90] =	vst v21  }
0x3a: {  	v21 =	vld.idx.msk [tilespmem:v12+s2+$0x0], $0xffff;
	_ =	sdelay $0x4  }
0x3b: {  	v21 =	vadd.s32 v1, v21  }
0x3c: {  	[tilespmem:$0x110] =	vst v21  }
0x3d: {  	v21 =	vld.idx.msk [tilespmem:v15+s2+$0x0], $0xffff;
	_ =	sdelay $0x4  }
0x3e: {  	v21 =	vadd.s32 v1, v21  }
0x3f: {  	[tilespmem:$0xA0] =	vst v21  }
0x40: {  	v21 =	vld.idx.msk [tilespmem:v16+s2+$0x0], $0xffff;
	_ =	sdelay $0x4  }
0x41: {  	v21 =	vadd.s32 v1, v21  }
0x42: {  	[tilespmem:$0x120] =	vst v21  }
0x43: {  	v21 =	vld.idx.msk [tilespmem:v17+s2+$0x0], $0xffff;
	_ =	sdelay $0x4  }
0x44: {  	v21 =	vadd.s32 v1, v21  }
0x45: {  	[tilespmem:$0xB0] =	vst v21  }
0x46: {  	v21 =	vld.idx.msk [tilespmem:v18+s2+$0x0], $0xffff;
	_ =	sdelay $0x4  }
0x47: {  	v21 =	vadd.s32 v1, v21  }
0x48: {  	[tilespmem:$0x130] =	vst v21  }
0x49: {  	[tilespmem:s13], [sflag:$0x3] =	stream.linear.gather [hbm4b:s6+s2], $0x3E80, $0x38;
	[tilespmem:$0xFE80] =	vst v63  }
0x4a: {  	_ = 	snop  }
0x4b: {  	[tilespmem:s16], [sflag:$0x1] =	stream.indirect.gather [hbm4b:s3+s14], $0x80, s15, s14, $0xb8;
	[tilespmem:$0xFE80] =	vst v63  }
0x4c: {  	_ = 	snop  }
0x4d: {  	[tilespmem:s17], [sflag:$0x4] =	stream.linear.gather [hbm4b:s7+s2], $0x3E80, $0x38;
	[tilespmem:$0xFE80] =	vst v63  }
0x4e: {  	_ = 	snop  }
0x4f: {  	[tilespmem:s19], [sflag:$0x2] =	stream.indirect.gather [hbm4b:s3+s14], $0x80, s18, s14, $0xb8;
	[tilespmem:$0xFE80] =	vst v63  }
0x50: {  	s28 =	simm.s32 $0x0;
	_ =	swait.ge [sflag:s20], $0x3E80  }
0x51: {  	v21 =	vadd.s32 s28, v13;
	s28 =	simm.s32 $0x1;
	[sflag:s20] =	ssyncset.done $0x0  }
0x52: {  	v22 =	vadd.s32 s28, v13;
	s28 =	simm.s32 $0x2;
	[sflag:s20] =	ssyncadd.s32 $0xFFFFC180  }
0x53: {  	v23 =	vadd.s32 s28, v13;
	s28 =	simm.s32 $0x3;
	_ =	swait.ge [sflag:s21], $0x4000  }
0x54: {  	v24 =	vadd.s32 s28, v13;
	s28 =	simm.s32 $0x4;
	[sflag:s21] =	ssyncset.done $0x0  }
0x55: {  	v25 =	vadd.s32 s28, v13;
	s28 =	simm.s32 $0x6;
	[sflag:s21] =	ssyncadd.s32 $0xFFFFC000  }
0x56: {  	s29 =	simm.s32 $0x7;
	v26 =	vadd.s32 s28, v13;
	v21 =	vld.idx.msk [tilespmem:v21+s13+$0x0], $0xffff  }
0x57: {  	v27 =	vadd.s32 s29, v13;
	s28 =	simm.s32 $0x5;
	v22 =	vld.idx.msk [tilespmem:v22+s13+$0x0], $0xffff  }
0x58: {  	v28 =	vadd.s32 s28, v13;
	s28 =	simm.s32 $0x8;
	v23 =	vld.idx.msk [tilespmem:v23+s13+$0x0], $0xffff  }
0x59: {  	v29 =	vadd.s32 s28, v13;
	s28 =	simm.s32 $0x9;
	v24 =	vld.idx.msk [tilespmem:v24+s13+$0x0], $0xffff  }
0x5a: {  	v30 =	vadd.s32 s28, v13;
	s28 =	simm.s32 $0xA;
	v25 =	vld.idx.msk [tilespmem:v25+s13+$0x0], $0xffff  }
0x5b: {  	v31 =	vadd.s32 s28, v13;
	s28 =	simm.s32 $0xB;
	v26 =	vld.idx.msk [tilespmem:v26+s13+$0x0], $0xffff  }
0x5c: {  	v32 =	vadd.s32 s28, v13;
	v27 =	vld.idx.msk [tilespmem:v27+s13+$0x0], $0xffff  }
0x5d: {  	v28 =	vld.idx.msk [tilespmem:v28+s13+$0x0], $0xffff;
	v21 =	vadd.s32 v14, v21  }
0x5e: {  	v29 =	vld.idx.msk [tilespmem:v29+s13+$0x0], $0xffff;
	v22 =	vadd.s32 v14, v22  }
0x5f: {  	v30 =	vld.idx.msk [tilespmem:v30+s13+$0x0], $0xffff;
	v23 =	vadd.s32 v14, v23  }
0x60: {  	v31 =	vld.idx.msk [tilespmem:v31+s13+$0x0], $0xffff;
	v24 =	vadd.s32 v14, v24  }
0x61: {  	s28 =	simm.s32 $0xC;
	v32 =	vld.idx.msk [tilespmem:v32+s13+$0x0], $0xffff;
	v25 =	vadd.s32 v14, v25  }
0x62: {  	v33 =	vadd.s32 s28, v13;
	v21 =	vld.idx.msk [tilespmem:v21+s16+$0x0], $0xffff  }
0x63: {  	v27 =	vadd.s32 v14, v27;
	v22 =	vld.idx.msk [tilespmem:v22+s16+$0x0], $0xffff  }
0x64: {  	v28 =	vadd.s32 v14, v28;
	v23 =	vld.idx.msk [tilespmem:v23+s16+$0x0], $0xffff  }
0x65: {  	s30 =	simm.s32 $0xD;
	v26 =	vadd.s32 v14, v26;
	v24 =	vld.idx.msk [tilespmem:v24+s16+$0x0], $0xffff  }
0x66: {  	v36 =	vadd.s32 s30, v13;
	v25 =	vld.idx.msk [tilespmem:v25+s16+$0x0], $0xffff  }
0x67: {  	s28 =	simm.s32 $0xE;
	v33 =	vld.idx.msk [tilespmem:v33+s13+$0x0], $0xffff;
	v29 =	vadd.s32 v14, v29;
	v21 =	vmul.f32 $1.442695020e+00, v21  }
0x68: {  	v34 =	vadd.s32 s28, v13;
	s28 =	simm.s32 $0xF;
	v27 =	vld.idx.msk [tilespmem:v27+s16+$0x0], $0xffff;
	v22 =	vmul.f32 $1.442695020e+00, v22  }
0x69: {  	v35 =	vadd.s32 s28, v13;
	v28 =	vld.idx.msk [tilespmem:v28+s16+$0x0], $0xffff;
	v23 =	vmul.f32 $1.442695020e+00, v23;
	(erf) = vpow2.f32 v21  }
0x6a: {  	v26 =	vld.idx.msk [tilespmem:v26+s16+$0x0], $0xffff;
	v24 =	vmul.f32 $1.442695020e+00, v24;
	v21 =	vadd.s32 v14, v30;
	(erf) = vpow2.f32 v22  }
0x6b: {  	v57 =	vld.idx.msk [tilespmem:v36+s13+$0x0], $0xffff;
	v25 =	vmul.f32 $1.442695020e+00, v25;
	v22 =	vadd.s32 v14, v31;
	(erf) = vpow2.f32 v23  }
0x6c: {  	v29 =	vld.idx.msk [tilespmem:v29+s16+$0x0], $0xffff;
	v23 =	vadd.s32 v14, v32;
	(erf) = vpow2.f32 v24  }
0x6d: {  	s28 =	simm.s32 $0x10;
	v30 =	vld.idx.msk [tilespmem:v34+s13+$0x0], $0xffff;
	v24 =	vadd.s32 v14, v33;
	(erf) = vpow2.f32 v25  }
0x6e: {  	v27 =	vmul.f32 $1.442695020e+00, v27;
	v31 =	vld.idx.msk [tilespmem:v35+s13+$0x0], $0xffff;
	v25 =	vadd.s32 s28, v13;
	s28 =	simm.s32 $0x11  }
0x6f: {  	v28 =	vmul.f32 $1.442695020e+00, v28;
	v26 =	vmul.f32 $1.442695020e+00, v26;
	v58 =	vadd.s32 s28, v13;
	s28 =	simm.s32 $0x12;
	v21 =	vld.idx.msk [tilespmem:v21+s16+$0x0], $0xffff  }
0x70: {  	v59 =	vadd.s32 s28, v13;
	s28 =	simm.s32 $0x13;
	v22 =	vld.idx.msk [tilespmem:v22+s16+$0x0], $0xffff  }
0x71: {  	(erf) = vpow2.f32 v28;
	v60 =	vadd.s32 s28, v13;
	s28 =	simm.s32 $0x14;
	v23 =	vld.idx.msk [tilespmem:v23+s16+$0x0], $0xffff  }
0x72: {  	(erf) = vpow2.f32 v27;
	v28 =	vadd.s32 s28, v13;
	v24 =	vld.idx.msk [tilespmem:v24+s16+$0x0], $0xffff;
	v27 =	vpop (erf)  }
0x73: {  	v29 =	vmul.f32 $1.442695020e+00, v29;
	v31 =	vadd.s32 v14, v31;
	(erf) = vpow2.f32 v26;
	v25 =	vld.idx.msk [tilespmem:v25+s13+$0x0], $0xffff;
	v26 =	vpop (erf)  }
0x74: {  	v61 =	vimm.f32 $0.0e+00;
	v43 =	vadd.s32 v14, v30;
	v33 =	vld.idx.msk [tilespmem:v58+s13+$0x0], $0xffff;
	v21 =	vmul.f32 $1.442695020e+00, v21;
	v38 =	vpop (erf)  }
0x75: {  	v37 =	vadd.s32 v14, v57;
	s28 =	simm.s32 $0x16;
	(erf) = vpow2.f32 v29;
	v39 =	vld.idx.msk [tilespmem:v59+s13+$0x0], $0xffff;
	v22 =	vmul.f32 $1.442695020e+00, v22;
	v41 =	vpop (erf)  }
0x76: {  	v40 =	vadd.s32 s28, v13;
	s28 =	simm.s32 $0x17;
	v62 =	vadd.f32 v27, v61;
	v42 =	vld.idx.msk [tilespmem:v60+s13+$0x0], $0xffff;
	v30 =	vpop (erf);
	(erf) = vpow2.f32 v21  }
0x77: {  	v44 =	vadd.s32 s28, v13;
	v29 =	vld.idx.msk [tilespmem:v28+s13+$0x0], $0xffff;
	(erf) = vpow2.f32 v22;
	v22 =	vmul.f32 $1.442695020e+00, v24  }
0x78: {  	s31 =	simm.s32 $0x15;
	v23 =	vmul.f32 $1.442695020e+00, v23;
	v28 =	vld.idx.msk [tilespmem:v31+s16+$0x0], $0xffff;
	v32 =	vadd.s32 v14, v25;
	v25 =	vadd.f32 v41, v61  }
0x79: {  	v27 =	vadd.s32 s31, v13;
	v31 =	vld.idx.msk [tilespmem:v43+s16+$0x0], $0xffff;
	v21 =	vadd.f32 v30, v62  }
0x7a: {  	v30 =	vld.idx.msk [tilespmem:v37+s16+$0x0], $0xffff;
	v63 =	vpop (erf);
	v24 =	vadd.f32 v38, v61;
	(erf) = vpow2.f32 v23;
	v23 =	vadd.f32 v26, v61  }
0x7b: {  	v34 =	vadd.s32 v14, v33;
	v26 =	vld.idx.msk [tilespmem:v40+s13+$0x0], $0xffff;
	(erf) = vpow2.f32 v22;
	v35 =	vadd.s32 v14, v39;
	v22 =	vpop (erf)  }
0x7c: {  	s28 =	simm.s32 $0x1F;
	v33 =	vld.idx.msk [tilespmem:v44+s13+$0x0], $0xffff;
	v23 =	vadd.f32 v63, v23;
	v36 =	vadd.s32 v14, v42;
	v22 =	vadd.f32 v22, v25;
	v25 =	vpop (erf)  }
.LBB2_2:
0x7d: {  	s29 =	sadd.s32 $0xFFFFFFF9, s28  }
0x7e: {  	p0 =	sne.s32 s28, $0x3E7;
	v29 =	vadd.s32 v14, v29;
	v37 =	vld.idx.msk [tilespmem:v27+s13+$0x0], $0xffff;
	v24 =	vadd.f32 v25, v24;
	s30 =	smov.u32 s28;
	s28 =	sadd.s32 $0x8, s28  }
0x7f: {  	v25 =	vadd.s32 s29, v13;
	s29 =	sadd.s32 $0xFFFFFFFA, s30;
	v32 =	vld.idx.msk [tilespmem:v32+s16+$0x0], $0xffff  }
0x80: {  	v27 =	vmul.f32 $1.442695020e+00, v30;
	v38 =	vadd.s32 s29, v13;
	s29 =	sadd.s32 $0xFFFFFFFB, s30;
	v34 =	vld.idx.msk [tilespmem:v34+s16+$0x0], $0xffff;
	v30 =	vpop (erf)  }
0x81: {  	v28 =	vmul.f32 $1.442695020e+00, v28;
	v39 =	vadd.s32 s29, v13;
	s29 =	sadd.s32 $0xFFFFFFFC, s30;
	v35 =	vld.idx.msk [tilespmem:v35+s16+$0x0], $0xffff;
	v40 =	vpop (erf)  }
0x82: {  	v31 =	vmul.f32 $1.442695020e+00, v31;
	v41 =	vadd.s32 s29, v13;
	s29 =	sadd.s32 $0xFFFFFFFD, s30;
	v36 =	vld.idx.msk [tilespmem:v36+s16+$0x0], $0xffff;
	v42 =	vpop (erf);
	(erf) = vpow2.f32 v27  }
0x83: {  	v21 =	vadd.f32 v30, v21;
	v43 =	vadd.s32 s29, v13;
	s29 =	sadd.s32 $0xFFFFFFFE, s30;
	v44 =	vld.idx.msk [tilespmem:v29+s16+$0x0], $0xffff;
	v45 =	vpop (erf);
	(erf) = vpow2.f32 v28  }
0x84: {  	v28 =	vadd.s32 v14, v33;
	v25 =	vld.idx.msk [tilespmem:v25+s13+$0x0], $0xffff;
	v27 =	vadd.s32 s29, v13;
	v29 =	vpop (erf);
	(erf) = vpow2.f32 v31  }
0x85: {  	v33 =	vadd.s32 v14, v37;
	s29 =	sadd.s32 $0xFFFFFFFF, s30;
	v30 =	vmul.f32 $1.442695020e+00, v32;
	v31 =	vld.idx.msk [tilespmem:v38+s13+$0x0], $0xffff;
	v21 =	vadd.f32 v29, v21  }
0x86: {  	v38 =	vadd.s32 s29, v13;
	v32 =	vmul.f32 $1.442695020e+00, v34;
	v37 =	vld.idx.msk [tilespmem:v39+s13+$0x0], $0xffff  }
0x87: {  	v34 =	vmul.f32 $1.442695020e+00, v35;
	v39 =	vld.idx.msk [tilespmem:v41+s13+$0x0], $0xffff;
	v41 =	vadd.s32 v14, v26;
	(erf) = vpow2.f32 v30  }
0x88: {  	v26 =	vmul.f32 $1.442695020e+00, v36;
	v29 =	vld.idx.msk [tilespmem:v43+s13+$0x0], $0xffff;
	v43 =	vadd.s32 s30, v13;
	(erf) = vpow2.f32 v32  }
.Ltmp0:
0x89: {  	v35 =	vmul.f32 $1.442695020e+00, v44;
	v28 =	vld.idx.msk [tilespmem:v28+s16+$0x0], $0xffff;
	(erf) = vpow2.f32 v34;
	(pc) =	sbr.rel @p0 .LBB2_2-.Ltmp0, $4  }
0x8a: {  	v23 =	vadd.f32 v40, v23;
	v32 =	vadd.s32 v14, v25;
	v30 =	vld.idx.msk [tilespmem:v33+s16+$0x0], $0xffff;
	(erf) = vpow2.f32 v26  }
0x8b: {  	v22 =	vadd.f32 v45, v22;
	v34 =	vadd.s32 v14, v31;
	v26 =	vld.idx.msk [tilespmem:v38+s13+$0x0], $0xffff;
	(erf) = vpow2.f32 v35;
	v25 =	vpop (erf)  }
0x8c: {  	v24 =	vadd.f32 v42, v24;
	v35 =	vadd.s32 v14, v37;
	v31 =	vld.idx.msk [tilespmem:v41+s16+$0x0], $0xffff;
	v23 =	vadd.f32 v25, v23;
	v25 =	vpop (erf)  }
0x8d: {  	v36 =	vadd.s32 v14, v39;
	v33 =	vld.idx.msk [tilespmem:v43+s13+$0x0], $0xffff;
	v22 =	vadd.f32 v25, v22;
	v25 =	vpop (erf)  }
0x8e: {  	_ =	sdelay $0x3  }
0x8f: {  	v27 =	vld.idx.msk [tilespmem:v27+s13+$0x0], $0xffff;
	_ =	sdelay $0x3  }
0x90: {  	v29 =	vadd.s32 v14, v29;
	v32 =	vld.idx.msk [tilespmem:v32+s16+$0x0], $0xffff  }
0x91: {  	v34 =	vld.idx.msk [tilespmem:v34+s16+$0x0], $0xffff;
	v27 =	vadd.s32 v14, v27  }
0x92: {  	v30 =	vmul.f32 $1.442695020e+00, v30;
	v33 =	vadd.s32 v14, v33  }
0x93: {  	v35 =	vld.idx.msk [tilespmem:v35+s16+$0x0], $0xffff;
	v28 =	vmul.f32 $1.442695020e+00, v28;
	v26 =	vadd.s32 v14, v26  }
0x94: {  	v36 =	vld.idx.msk [tilespmem:v36+s16+$0x0], $0xffff;
	v31 =	vmul.f32 $1.442695020e+00, v31;
	(erf) = vpow2.f32 v30  }
0x95: {  	(erf) = vpow2.f32 v28;
	v29 =	vld.idx.msk [tilespmem:v29+s16+$0x0], $0xffff;
	v28 =	vmul.f32 $1.442695020e+00, v32  }
0x96: {  	v30 =	vmul.f32 $1.442695020e+00, v34;
	v27 =	vld.idx.msk [tilespmem:v27+s16+$0x0], $0xffff  }
0x97: {  	(erf) = vpow2.f32 v31;
	v31 =	vld.idx.msk [tilespmem:v33+s16+$0x0], $0xffff  }
0x98: {  	v59 =	vmul.f32 $1.442695020e+00, v35;
	(erf) = vpow2.f32 v28;
	v26 =	vld.idx.msk [tilespmem:v26+s16+$0x0], $0xffff  }
0x99: {  	v60 =	vmul.f32 $1.442695020e+00, v36;
	v28 =	vpop (erf);
	(erf) = vpow2.f32 v30  }
0x9a: {  	v30 =	vpop (erf);
	v29 =	vmul.f32 $1.442695020e+00, v29;
	(erf) = vpow2.f32 v59  }
0x9b: {  	v61 =	vpop (erf);
	(erf) = vpow2.f32 v60;
	v27 =	vmul.f32 $1.442695020e+00, v27  }
0x9c: {  	v62 =	vpop (erf);
	(erf) = vpow2.f32 v29;
	v29 =	vmul.f32 $1.442695020e+00, v31  }
0x9d: {  	v26 =	vmul.f32 $1.442695020e+00, v26  }
0x9e: {  	v31 =	vpop (erf);
	(erf) = vpow2.f32 v27  }
0x9f: {  	v27 =	vpop (erf);
	(erf) = vpow2.f32 v29  }
0xa0: {  	v29 =	vpop (erf);
	(erf) = vpow2.f32 v26  }
0xa1: {  	v26 =	vpop (erf)  }
0xa2: {  	v63 =	vpop (erf)  }
0xa3: {  	v35 =	vpop (erf)  }
0xa4: {  	v36 =	vpop (erf)  }
0xa5: {  	v37 =	vpop (erf)  }
0xa6: {  	v38 =	vpop (erf)  }
0xa7: {  	v39 =	vpop (erf)  }
0xa8: {  	v40 =	vpop (erf)  }
0xa9: {  	v41 =	vpop (erf)  }
0xaa: {  	s28 =	simm.s32 $0x0;
	_ =	swait.ge [sflag:s22], $0x3E80  }
0xab: {  	v42 =	vadd.s32 s28, v19;
	s28 =	simm.s32 $0x1;
	[sflag:s22] =	ssyncset.done $0x0  }
0xac: {  	v43 =	vadd.s32 s28, v19;
	s28 =	simm.s32 $0x2;
	[sflag:s22] =	ssyncadd.s32 $0xFFFFC180  }
0xad: {  	v44 =	vadd.s32 s28, v19;
	s28 =	simm.s32 $0x3;
	_ =	swait.ge [sflag:s23], $0x4000  }
0xae: {  	v45 =	vadd.s32 s28, v19;
	s28 =	simm.s32 $0x4;
	[sflag:s23] =	ssyncset.done $0x0  }
0xaf: {  	v46 =	vadd.s32 s28, v19;
	s28 =	simm.s32 $0x6;
	[sflag:s23] =	ssyncadd.s32 $0xFFFFC000  }
0xb0: {  	s29 =	simm.s32 $0x7;
	v47 =	vadd.s32 s28, v19;
	v42 =	vld.idx.msk [tilespmem:v42+s13+$0x0], $0xffff  }
0xb1: {  	v48 =	vadd.s32 s29, v19;
	s28 =	simm.s32 $0x5;
	v43 =	vld.idx.msk [tilespmem:v43+s13+$0x0], $0xffff  }
0xb2: {  	v49 =	vadd.s32 s28, v19;
	s28 =	simm.s32 $0x8;
	v44 =	vld.idx.msk [tilespmem:v44+s13+$0x0], $0xffff  }
0xb3: {  	v50 =	vadd.s32 s28, v19;
	s28 =	simm.s32 $0x9;
	v45 =	vld.idx.msk [tilespmem:v45+s13+$0x0], $0xffff  }
0xb4: {  	v51 =	vadd.s32 s28, v19;
	s28 =	simm.s32 $0xA;
	v46 =	vld.idx.msk [tilespmem:v46+s13+$0x0], $0xffff  }
0xb5: {  	v52 =	vadd.s32 s28, v19;
	s28 =	simm.s32 $0xB;
	v47 =	vld.idx.msk [tilespmem:v47+s13+$0x0], $0xffff  }
0xb6: {  	v53 =	vadd.s32 s28, v19;
	s28 =	simm.s32 $0xC;
	v48 =	vld.idx.msk [tilespmem:v48+s13+$0x0], $0xffff  }
0xb7: {  	v54 =	vadd.s32 s28, v19;
	s28 =	simm.s32 $0xE;
	v49 =	vld.idx.msk [tilespmem:v49+s13+$0x0], $0xffff  }
0xb8: {  	v21 =	vadd.f32 v28, v21;
	v57 =	vadd.s32 s28, v19;
	v28 =	vld.idx.msk [tilespmem:v50+s13+$0x0], $0xffff  }
0xb9: {  	v24 =	vadd.f32 v25, v24;
	v23 =	vadd.f32 v30, v23;
	v25 =	vld.idx.msk [tilespmem:v51+s13+$0x0], $0xffff;
	v42 =	vadd.s32 v20, v42  }
0xba: {  	v22 =	vadd.f32 v62, v22;
	v21 =	vadd.f32 v31, v21;
	v31 =	vld.idx.msk [tilespmem:v52+s13+$0x0], $0xffff;
	v43 =	vadd.s32 v20, v43  }
0xbb: {  	v23 =	vadd.f32 v27, v23;
	v27 =	vld.idx.msk [tilespmem:v53+s13+$0x0], $0xffff;
	v44 =	vadd.s32 v20, v44  }
0xbc: {  	v22 =	vadd.f32 v29, v22;
	v29 =	vld.idx.msk [tilespmem:v54+s13+$0x0], $0xffff;
	v45 =	vadd.s32 v20, v45  }
0xbd: {  	v24 =	vadd.f32 v61, v24;
	s28 =	simm.s32 $0xF;
	v33 =	vld.idx.msk [tilespmem:v57+s13+$0x0], $0xffff;
	v46 =	vadd.s32 v20, v46  }
0xbe: {  	s30 =	simm.s32 $0xD;
	v59 =	vadd.s32 s28, v19;
	v42 =	vld.idx.msk [tilespmem:v42+s16+$0x0], $0xffff  }
0xbf: {  	v24 =	vadd.f32 v26, v24;
	v26 =	vadd.s32 s30, v19;
	v43 =	vld.idx.msk [tilespmem:v43+s16+$0x0], $0xffff  }
0xc0: {  	v30 =	vadd.s32 v20, v49;
	v44 =	vld.idx.msk [tilespmem:v44+s16+$0x0], $0xffff  }
0xc1: {  	v48 =	vadd.s32 v20, v48;
	v45 =	vld.idx.msk [tilespmem:v45+s16+$0x0], $0xffff  }
0xc2: {  	v58 =	vadd.s32 v20, v47;
	v46 =	vld.idx.msk [tilespmem:v46+s16+$0x0], $0xffff  }
0xc3: {  	v34 =	vld.idx.msk [tilespmem:v59+s13+$0x0], $0xffff;
	v28 =	vadd.s32 v20, v28;
	v42 =	vmul.f32 $1.442695020e+00, v42  }
0xc4: {  	v21 =	vadd.f32 v63, v21;
	v23 =	vadd.f32 v35, v23;
	v26 =	vld.idx.msk [tilespmem:v26+s13+$0x0], $0xffff;
	v25 =	vadd.s32 v20, v25  }
0xc5: {  	v31 =	vadd.s32 v20, v31;
	v30 =	vld.idx.msk [tilespmem:v30+s16+$0x0], $0xffff;
	v61 =	vmul.f32 $1.442695020e+00, v43;
	(erf) = vpow2.f32 v42  }
0xc6: {  	s28 =	simm.s32 $0x10;
	v27 =	vadd.s32 v20, v27;
	v60 =	vld.idx.msk [tilespmem:v48+s16+$0x0], $0xffff;
	v62 =	vmul.f32 $1.442695020e+00, v44;
	v63 =	vmul.f32 $1.442695020e+00, v45  }
0xc7: {  	v32 =	vld.idx.msk [tilespmem:v58+s16+$0x0], $0xffff;
	v44 =	vmul.f32 $1.442695020e+00, v46;
	v46 =	vadd.s32 s28, v19;
	s28 =	simm.s32 $0x11;
	(erf) = vpow2.f32 v61  }
0xc8: {  	v24 =	vadd.f32 v36, v24;
	v28 =	vld.idx.msk [tilespmem:v28+s16+$0x0], $0xffff;
	v48 =	vadd.s32 s28, v19;
	(erf) = vpow2.f32 v62  }
0xc9: {  	v21 =	vadd.f32 v38, v21;
	v29 =	vadd.s32 v20, v29;
	v25 =	vld.idx.msk [tilespmem:v25+s16+$0x0], $0xffff;
	(erf) = vpow2.f32 v63  }
0xca: {  	v24 =	vadd.f32 v41, v24;
	v31 =	vld.idx.msk [tilespmem:v31+s16+$0x0], $0xffff;
	v30 =	vmul.f32 $1.442695020e+00, v30;
	s28 =	simm.s32 $0x12;
	(erf) = vpow2.f32 v44  }
0xcb: {  	v26 =	vadd.s32 v20, v26;
	v27 =	vld.idx.msk [tilespmem:v27+s16+$0x0], $0xffff;
	v50 =	vmul.f32 $1.442695020e+00, v60;
	v49 =	vadd.s32 s28, v19  }
0xcc: {  	v45 =	vadd.f32 v37, v22;
	v32 =	vmul.f32 $1.442695020e+00, v32;
	s28 =	simm.s32 $0x13;
	v37 =	vld.idx.msk [tilespmem:v46+s13+$0x0], $0xffff;
	(erf) = vpow2.f32 v30  }
0xcd: {  	v53 =	vimm.f32 $0.0e+00;
	v51 =	vadd.s32 s28, v19;
	s28 =	simm.s32 $0x14;
	v36 =	vld.idx.msk [tilespmem:v48+s13+$0x0], $0xffff;
	(erf) = vpow2.f32 v50  }
0xce: {  	v34 =	vadd.s32 v20, v34;
	v52 =	vld.idx.msk [tilespmem:v29+s16+$0x0], $0xffff;
	v30 =	vadd.s32 s28, v19;
	v29 =	vpop (erf);
	(erf) = vpow2.f32 v32  }
0xcf: {  	v22 =	vadd.f32 v39, v23;
	v28 =	vmul.f32 $1.442695020e+00, v28;
	v25 =	vmul.f32 $1.442695020e+00, v25;
	s28 =	simm.s32 $0x16  }
0xd0: {  	v31 =	vmul.f32 $1.442695020e+00, v31;
	v60 =	vadd.s32 v20, v33;
	v57 =	vld.idx.msk [tilespmem:v49+s13+$0x0], $0xffff;
	v58 =	vadd.s32 s28, v19;
	s28 =	simm.s32 $0x17;
	v54 =	vpop (erf)  }
0xd1: {  	v27 =	vmul.f32 $1.442695020e+00, v27;
	v33 =	vld.idx.msk [tilespmem:v26+s16+$0x0], $0xffff;
	v23 =	vadd.f32 v40, v45;
	v61 =	vadd.s32 s28, v19;
	v55 =	vpop (erf)  }
0xd2: {  	s31 =	simm.s32 $0x15;
	v42 =	vld.idx.msk [tilespmem:v51+s13+$0x0], $0xffff;
	v35 =	vadd.s32 v20, v37;
	v38 =	vadd.s32 v20, v36;
	(erf) = vpow2.f32 v28;
	v59 =	vpop (erf)  }
0xd3: {  	v56 =	vadd.f32 v29, v53;
	v32 =	vld.idx.msk [tilespmem:v30+s13+$0x0], $0xffff;
	v29 =	vadd.s32 s31, v19;
	v28 =	vpop (erf);
	(erf) = vpow2.f32 v25  }
0xd4: {  	v30 =	vld.idx.msk [tilespmem:v34+s16+$0x0], $0xffff;
	v26 =	vadd.f32 v54, v53;
	(erf) = vpow2.f32 v31;
	v31 =	vmul.f32 $1.442695020e+00, v52  }
0xd5: {  	v39 =	vadd.s32 v20, v57;
	v34 =	vld.idx.msk [tilespmem:v60+s16+$0x0], $0xffff;
	v62 =	vpop (erf);
	(erf) = vpow2.f32 v27;
	v27 =	vadd.f32 v59, v53  }
0xd6: {  	v36 =	vld.idx.msk [tilespmem:v61+s13+$0x0], $0xffff;
	v25 =	vadd.f32 v28, v56;
	v63 =	vpop (erf);
	v26 =	vadd.f32 v62, v26;
	(erf) = vpow2.f32 v31  }
0xd7: {  	s28 =	simm.s32 $0x1F;
	v40 =	vadd.s32 v20, v42;
	v28 =	vld.idx.msk [tilespmem:v58+s13+$0x0], $0xffff;
	v31 =	vadd.f32 v55, v53;
	v27 =	vadd.f32 v63, v27;
	v37 =	vpop (erf)  }
.LBB2_4:
0xd8: {  	s29 =	sadd.s32 $0xFFFFFFF9, s28  }
0xd9: {  	p0 =	sne.s32 s28, $0x3E7;
	v32 =	vadd.s32 v20, v32;
	v41 =	vld.idx.msk [tilespmem:v29+s13+$0x0], $0xffff;
	v31 =	vadd.f32 v37, v31;
	s30 =	smov.u32 s28;
	s28 =	sadd.s32 $0x8, s28  }
0xda: {  	v29 =	vadd.s32 s29, v19;
	s29 =	sadd.s32 $0xFFFFFFFA, s30;
	v35 =	vld.idx.msk [tilespmem:v35+s16+$0x0], $0xffff  }
0xdb: {  	v33 =	vmul.f32 $1.442695020e+00, v33;
	v37 =	vadd.s32 s29, v19;
	s29 =	sadd.s32 $0xFFFFFFFB, s30;
	v38 =	vld.idx.msk [tilespmem:v38+s16+$0x0], $0xffff;
	v42 =	vpop (erf)  }
0xdc: {  	v30 =	vmul.f32 $1.442695020e+00, v30;
	v43 =	vadd.s32 s29, v19;
	s29 =	sadd.s32 $0xFFFFFFFC, s30;
	v39 =	vld.idx.msk [tilespmem:v39+s16+$0x0], $0xffff;
	v44 =	vpop (erf)  }
0xdd: {  	v34 =	vmul.f32 $1.442695020e+00, v34;
	v45 =	vadd.s32 s29, v19;
	s29 =	sadd.s32 $0xFFFFFFFD, s30;
	v40 =	vld.idx.msk [tilespmem:v40+s16+$0x0], $0xffff;
	v46 =	vpop (erf);
	(erf) = vpow2.f32 v33  }
0xde: {  	v25 =	vadd.f32 v42, v25;
	v33 =	vadd.s32 s29, v19;
	s29 =	sadd.s32 $0xFFFFFFFE, s30;
	v47 =	vld.idx.msk [tilespmem:v32+s16+$0x0], $0xffff;
	v42 =	vpop (erf);
	(erf) = vpow2.f32 v30  }
0xdf: {  	v30 =	vadd.s32 v20, v36;
	v48 =	vld.idx.msk [tilespmem:v29+s13+$0x0], $0xffff;
	v29 =	vadd.s32 s29, v19;
	v32 =	vpop (erf);
	(erf) = vpow2.f32 v34  }
0xe0: {  	v36 =	vadd.s32 v20, v41;
	s29 =	sadd.s32 $0xFFFFFFFF, s30;
	v35 =	vmul.f32 $1.442695020e+00, v35;
	v34 =	vld.idx.msk [tilespmem:v37+s13+$0x0], $0xffff;
	v25 =	vadd.f32 v32, v25  }
0xe1: {  	v41 =	vadd.s32 s29, v19;
	v38 =	vmul.f32 $1.442695020e+00, v38;
	v37 =	vld.idx.msk [tilespmem:v43+s13+$0x0], $0xffff  }
0xe2: {  	v39 =	vmul.f32 $1.442695020e+00, v39;
	v43 =	vld.idx.msk [tilespmem:v45+s13+$0x0], $0xffff;
	v45 =	vadd.s32 v20, v28;
	(erf) = vpow2.f32 v35  }
0xe3: {  	v49 =	vadd.s32 s30, v19;
	v28 =	vmul.f32 $1.442695020e+00, v40;
	v32 =	vld.idx.msk [tilespmem:v33+s13+$0x0], $0xffff;
	(erf) = vpow2.f32 v38  }
.Ltmp1:
0xe4: {  	v40 =	vmul.f32 $1.442695020e+00, v47;
	v30 =	vld.idx.msk [tilespmem:v30+s16+$0x0], $0xffff;
	(erf) = vpow2.f32 v39;
	(pc) =	sbr.rel @p0 .LBB2_4-.Ltmp1, $4  }
0xe5: {  	v26 =	vadd.f32 v44, v26;
	v35 =	vadd.s32 v20, v48;
	v33 =	vld.idx.msk [tilespmem:v36+s16+$0x0], $0xffff;
	(erf) = vpow2.f32 v28  }
0xe6: {  	v27 =	vadd.f32 v42, v27;
	v38 =	vadd.s32 v20, v34;
	v28 =	vld.idx.msk [tilespmem:v41+s13+$0x0], $0xffff;
	(erf) = vpow2.f32 v40;
	v36 =	vpop (erf)  }
0xe7: {  	v31 =	vadd.f32 v46, v31;
	v39 =	vadd.s32 v20, v37;
	v34 =	vld.idx.msk [tilespmem:v45+s16+$0x0], $0xffff;
	v26 =	vadd.f32 v36, v26;
	v37 =	vpop (erf)  }
0xe8: {  	v40 =	vadd.s32 v20, v43;
	v36 =	vld.idx.msk [tilespmem:v49+s13+$0x0], $0xffff;
	v27 =	vadd.f32 v37, v27;
	v37 =	vpop (erf)  }
0xe9: {  	_ =	sdelay $0x3  }
0xea: {  	v29 =	vld.idx.msk [tilespmem:v29+s13+$0x0], $0xffff;
	_ =	sdelay $0x3  }
0xeb: {  	v32 =	vadd.s32 v20, v32  }
0xec: {  	v35 =	vld.idx.msk [tilespmem:v35+s16+$0x0], $0xffff;
	v29 =	vadd.s32 v20, v29  }
0xed: {  	v38 =	vld.idx.msk [tilespmem:v38+s16+$0x0], $0xffff;
	v36 =	vadd.s32 v20, v36  }
0xee: {  	v39 =	vld.idx.msk [tilespmem:v39+s16+$0x0], $0xffff;
	v33 =	vmul.f32 $1.442695020e+00, v33;
	v28 =	vadd.s32 v20, v28  }
0xef: {  	v30 =	vmul.f32 $1.442695020e+00, v30;
	v40 =	vld.idx.msk [tilespmem:v40+s16+$0x0], $0xffff  }
0xf0: {  	v34 =	vmul.f32 $1.442695020e+00, v34;
	(erf) = vpow2.f32 v33;
	v32 =	vld.idx.msk [tilespmem:v32+s16+$0x0], $0xffff  }
0xf1: {  	(erf) = vpow2.f32 v30;
	v63 =	vmul.f32 $1.442695020e+00, v35;
	v29 =	vld.idx.msk [tilespmem:v29+s16+$0x0], $0xffff  }
0xf2: {  	(erf) = vpow2.f32 v34;
	v41 =	vmul.f32 $1.442695020e+00, v38;
	v42 =	vld.idx.msk [tilespmem:v36+s16+$0x0], $0xffff  }
0xf3: {  	v43 =	vmul.f32 $1.442695020e+00, v39;
	(erf) = vpow2.f32 v63;
	v28 =	vld.idx.msk [tilespmem:v28+s16+$0x0], $0xffff  }
0xf4: {  	v44 =	vpop (erf);
	v45 =	vmul.f32 $1.442695020e+00, v40;
	(erf) = vpow2.f32 v41  }
0xf5: {  	v46 =	vpop (erf);
	(erf) = vpow2.f32 v43;
	v32 =	vmul.f32 $1.442695020e+00, v32  }
0xf6: {  	v47 =	vpop (erf);
	(erf) = vpow2.f32 v45;
	v29 =	vmul.f32 $1.442695020e+00, v29  }
0xf7: {  	v48 =	vpop (erf);
	(erf) = vpow2.f32 v32;
	v49 =	vmul.f32 $1.442695020e+00, v42  }
0xf8: {  	v50 =	vpop (erf);
	v28 =	vmul.f32 $1.442695020e+00, v28;
	(erf) = vpow2.f32 v29  }
0xf9: {  	v51 =	vpop (erf);
	(erf) = vpow2.f32 v49  }
0xfa: {  	v53 =	vld [tilespmem:$0x20];
	v21 =	vadd.f32 v22, v21;
	v22 =	vadd.f32 v23, v24;
	v52 =	vpop (erf);
	(erf) = vpow2.f32 v28  }
0xfb: {  	v54 =	vpop (erf)  }
0xfc: {  	v31 =	vadd.f32 v37, v31;
	v21 =	vadd.f32 v22, v21;
	v55 =	vpop (erf)  }
0xfd: {  	v25 =	vadd.f32 v44, v25;
	v26 =	vadd.f32 v46, v26;
	v56 =	vpop (erf)  }
0xfe: {  	v31 =	vadd.f32 v47, v31;
	v27 =	vadd.f32 v48, v27;
	v57 =	vpop (erf)  }
0xff: {  	v23 =	vadd.s32 v14, v53;
	v25 =	vadd.f32 v50, v25;
	v26 =	vadd.f32 v51, v26;
	v58 =	vpop (erf)  }
0x100: {  	v27 =	vadd.f32 v52, v27;
	v59 =	vadd.f32 v54, v31;
	v60 =	vpop (erf)  }
0x101: {  	v22 =	vld [tilespmem:$0x30];
	v25 =	vadd.f32 v55, v25;
	v26 =	vadd.f32 v56, v26;
	v61 =	vpop (erf)  }
0x102: {  	v24 =	vadd.f32 v57, v59;
	v27 =	vadd.f32 v58, v27;
	v62 =	vpop (erf)  }
0x103: {  	[tilespmem:$0xFE40] =	vst v21;
	v25 =	vadd.f32 v60, v25;
	v26 =	vadd.f32 v61, v26;
	v63 =	vpop (erf)  }
0x104: {  	v23 =	vld.idx.msk [tilespmem:v23+s16+$0x0], $0xffff;
	v21 =	vadd.f32 v62, v27;
	v24 =	vadd.f32 v63, v24;
	_ =	sdelay $0x1  }
0x105: {  	v22 =	vadd.s32 v20, v22;
	v25 =	vadd.f32 v26, v25;
	v21 =	vadd.f32 v21, v24;
	_ =	sdelay $0x1  }
0x106: {  	v21 =	vadd.f32 v21, v25  }
0x107: {  	[tilespmem:$0xFE60] =	vst v23  }
0x108: {  	[tilespmem:$0xFE50] =	vst v21  }
0x109: {  	v21 =	vld.idx.msk [tilespmem:v22+s16+$0x0], $0xffff;
	_ =	sdelay $0x4  }
0x10a: {  	[tilespmem:$0xFE70] =	vst v21  }
0x10b: {  	[hbm4b:s8+s2] =	stream.linear.scatter [tilespmem:s24], [sflag:$0x5], $0x20, $0x38;
	[tilespmem:$0xFE80] =	vst v63  }
0x10c: {  	s26 =	sadd.s32 $0x1, s26;
	_ =	swait.ge [sflag:s11], $0x20  }
0x10d: {  	p0 =	sne.s32 s26, s10;
	[sflag:s11] =	ssyncset.done $0x0  }
.Ltmp2:
0x10e: {  	[sflag:s11] =	ssyncadd.s32 $0xFFFFFFE0;
	(pc) =	sbr.rel @p0 .LBB2_1-.Ltmp2, $4  }
0x10f: {  	[hbm4b:s9+s2] =	stream.linear.scatter [tilespmem:s25], [sflag:$0x5], $0x20, $0x38;
	[tilespmem:$0xFE80] =	vst v63  }
0x110: {  	_ =	swait.ge [sflag:s11], $0x20  }
0x111: {  	[sflag:s11] =	ssyncset.done $0x0  }
0x112: {  	[sflag:s11] =	ssyncadd.s32 $0xFFFFFFE0  }
0x113: {  	_ =	sfence.sel $0x180000  }
0x114: {  	[bflag:$0x0] =	sbarrier.arrive $0xFFFF  }
0x115: {  	p0 =	sne.s32 s1, $0x0;
	_ =	strace $0x90000047  }
0x116: {  	s0 =	sadd.s32 @!p0 $0x100000, s0;
	[bflag:$0x2] =	sbarrier.arrive $0xFFFF  }
0x117: {  	[sflag:s0] =	ssyncadd.tile.s32 @!p0 $0x1;
	_ =	shalt  }
.Lfunc_end2:
_tile_overlayer_lowered:
.L_overlay_start_2:
0x118: {  	(tag) =	ssettag $0x2  }
0x119: {  	s0 =	rddreg [dreg:$0x0];
	s2 =	stileid.u32  }
0x11a: {  	s1 =	rddreg [dreg:$0x1];
	p0 =	sne.s32 s2, $0x0  }
0x11b: {  	s3 =	rddreg [dreg:$0x2];
	[bflag:$0x3] =	sbarrier.arrive $0xFFFF;
	s2 =	simm.s32 @!p0 $0x1C05  }
0x11c: {  	[timem:s3], [sflag:s2] =	dma.local @!p0 [hbm:s0], s1  }
0x11d: {  	s0 =	simm.s32 @!p0 $0x5  }
0x11e: {  	_ =	swait.ge @!p0 [sflag:s0], s1  }
0x11f: {  	s1 =	ssub.s32 @!p0 $0x0, s1;
	[sflag:s0] =	ssyncset.done @!p0 $0x0  }
0x120: {  	[sflag:s0] =	ssyncadd.s32 @!p0 s1  }
0x121: {  	[bflag:$0x3] =	sbarrier.arrive $0xFFFF  }
0x122: {  	_ =	shalt  }

</sc_bundles>
